<compile_context>
chip_gen: v7x
topology: tpu7x:2x2x1
jax: 0.10.2.dev20260603
libtpu: 0.0.44.dev20260713+nightly
codegen_flags: <defaults>
</compile_context>

<pallas_src>
import functools

import jax
import jax.numpy as jnp
from jax import lax
from jax.experimental import pallas as pl
from jax.experimental.pallas import tpu as pltpu
from jax.experimental.pallas import tpu_sc as plsc

N_NODES = 10000
N_PAD = 10240
CH = 128
E = 320000
NC = 2
NS = 16
NW = NC * NS
EPW = E // NW
CHUNK = 128
NFULL = EPW // CHUNK
TAIL = EPW - NFULL * CHUNK
RPT = N_PAD // NS
NCH = 80
E_PAD = NW * NCH * CHUNK

_mesh = plsc.VectorSubcoreMesh(core_axis_name="c", subcore_axis_name="s")


@functools.partial(
    pl.kernel,
    out_type=jax.ShapeDtypeStruct((NC, N_PAD), jnp.float32),
    mesh=_mesh,
    scratch_types=[
        pltpu.VMEM((NCH, CHUNK), jnp.int32),
        pltpu.VMEM((CHUNK,), jnp.float32),
        pltpu.VMEM_SHARED((N_PAD,), jnp.float32),
        pltpu.SemaphoreType.DMA,
    ],
)
def _deg_call(dst2_hbm, out_hbm, didx, buf, acc, sem):
    cid = lax.axis_index("c")
    sid = lax.axis_index("s")
    w = cid * NS + sid

    pltpu.sync_copy(dst2_hbm.at[pl.ds(w * NCH, NCH)], didx)

    @pl.loop(0, CHUNK // 16)
    def _(i):
        buf[pl.ds(i * 16, 16)] = jnp.zeros((16,), jnp.float32)

    base = sid * RPT
    for j in range(RPT // CHUNK):
        pltpu.sync_copy(buf, acc.at[pl.ds(base + j * CHUNK, CHUNK)])

    @pl.loop(0, CHUNK // 16)
    def _(i):
        buf[pl.ds(i * 16, 16)] = jnp.ones((16,), jnp.float32)

    plsc.subcore_barrier()

    @pl.loop(0, NCH)
    def _(i):
        pltpu.async_copy(buf, acc.at[didx.at[i]], sem, add=True)

    @pl.loop(0, NCH)
    def _(i):
        pltpu.make_async_copy(buf, acc.at[didx.at[0]], sem).wait()

    plsc.subcore_barrier()
    pltpu.sync_copy(acc.at[pl.ds(base, RPT)], out_hbm.at[cid].at[pl.ds(base, RPT)])


@functools.partial(
    pl.kernel,
    out_type=jax.ShapeDtypeStruct((NC, N_PAD, CH), jnp.float32),
    mesh=_mesh,
    scratch_types=[
        pltpu.VMEM((CHUNK,), jnp.int32),
        pltpu.VMEM((CHUNK,), jnp.int32),
        pltpu.VMEM((TAIL,), jnp.int32),
        pltpu.VMEM((TAIL,), jnp.int32),
        pltpu.VMEM((CHUNK, CH), jnp.float32),
        pltpu.VMEM_SHARED((N_PAD, CH), jnp.float32),
        pltpu.SemaphoreType.DMA,
    ],
)
def _agg_call(src_hbm, dst_hbm, m_hbm, out_hbm, sidx, didx, sidx_t, didx_t, rows, acc, sem):
    cid = lax.axis_index("c")
    sid = lax.axis_index("s")
    ebase = (cid * NS + sid) * EPW

    @pl.loop(0, CHUNK)
    def _(i):
        for j in range(CH // 16):
            rows[i, pl.ds(j * 16, 16)] = jnp.zeros((16,), jnp.float32)

    base = sid * RPT
    for j in range(RPT // CHUNK):
        pltpu.sync_copy(rows, acc.at[pl.ds(base + j * CHUNK, CHUNK)])

    plsc.subcore_barrier()

    @pl.loop(0, NFULL)
    def _(i):
        e0 = ebase + i * CHUNK
        pltpu.sync_copy(src_hbm.at[pl.ds(e0, CHUNK)], sidx)
        pltpu.sync_copy(dst_hbm.at[pl.ds(e0, CHUNK)], didx)
        pltpu.async_copy(m_hbm.at[sidx], rows, sem).wait()
        pltpu.sync_copy(rows, acc.at[didx], add=True)

    e0 = ebase + NFULL * CHUNK
    pltpu.sync_copy(src_hbm.at[pl.ds(e0, TAIL)], sidx_t)
    pltpu.sync_copy(dst_hbm.at[pl.ds(e0, TAIL)], didx_t)
    pltpu.async_copy(m_hbm.at[sidx_t], rows.at[pl.ds(0, TAIL)], sem).wait()
    pltpu.sync_copy(rows.at[pl.ds(0, TAIL)], acc.at[didx_t], add=True)

    plsc.subcore_barrier()
    pltpu.sync_copy(acc.at[pl.ds(base, RPT)], out_hbm.at[cid].at[pl.ds(base, RPT)])


def _k1_body(x_ref, w_ref, degs_ref, m_ref, dis_ref):
    deg = degs_ref[0] + degs_ref[1] + 1.0
    dis = lax.rsqrt(deg)
    dis_ref[...] = dis
    h = jnp.dot(x_ref[...], w_ref[...], preferred_element_type=jnp.float32)
    m_ref[...] = h * dis


def _k2_body(acc_ref, m1_ref, dis_ref, b_ref, w_ref, m2_ref):
    dis = dis_ref[...]
    a = acc_ref[0, :N_NODES, :] + acc_ref[1, :N_NODES, :] + m1_ref[...]
    h = jnp.maximum(a * dis + b_ref[...], 0.0)
    m2_ref[...] = jnp.dot(h, w_ref[...], preferred_element_type=jnp.float32) * dis


def _k3_body(acc_ref, m2_ref, dis_ref, b_ref, out_ref):
    a = acc_ref[0, :N_NODES, :] + acc_ref[1, :N_NODES, :] + m2_ref[...]
    out_ref[...] = a * dis_ref[...] + b_ref[...]


_k1 = pl.pallas_call(
    _k1_body,
    out_shape=[
        jax.ShapeDtypeStruct((N_NODES, CH), jnp.float32),
        jax.ShapeDtypeStruct((N_NODES, 1), jnp.float32),
    ],
)

_k2 = pl.pallas_call(
    _k2_body,
    out_shape=jax.ShapeDtypeStruct((N_NODES, CH), jnp.float32),
)

_k3 = pl.pallas_call(
    _k3_body,
    out_shape=jax.ShapeDtypeStruct((N_NODES, CH), jnp.float32),
)


def kernel(x, edge_index, W1, b1, W2, b2):
    ei = edge_index.astype(jnp.int32)
    src = ei[0]
    dst = ei[1]
    b1r = b1.reshape(1, CH)
    b2r = b2.reshape(1, CH)

    npad = E_PAD - E
    pad_dst = N_NODES + (jnp.arange(npad, dtype=jnp.int32) % (N_PAD - N_NODES))
    dst2 = jnp.concatenate([dst, pad_dst]).reshape(NW * NCH, CHUNK)
    degs = _deg_call(dst2)
    degs3 = degs[:, :N_NODES, None]
    m1, dis = _k1(x, W1, degs3)
    acc1 = _agg_call(src, dst, m1)
    m2 = _k2(acc1, m1, dis, b1r, W2)
    acc2 = _agg_call(src, dst, m2)
    return _k3(acc2, m2, dis, b2r)

# --- scband reference (transcript-rebuilt; emitter-appended) ---
"""Pipeline reference for scband-gcnencoder-75127567941896 (READ-ONLY COPY).

The authoritative reference and input builder live on the scoring server;
editing this copy changes nothing except your own understanding.
"""

import jax, jax.numpy as jnp
import numpy as np

N_NODES = 10000
N_EDGES = 320000
IN_CH = 128
HID = 128
OUT_CH = 128


def gcn_conv(x, edge_index, W, b, n_nodes):
    # PyG-style GCNConv: add self-loops, symmetric normalization, sum aggregation
    src = edge_index[0]
    dst = edge_index[1]
    loop = jnp.arange(n_nodes, dtype=src.dtype)
    src = jnp.concatenate([src, loop])
    dst = jnp.concatenate([dst, loop])
    deg = jnp.zeros((n_nodes,), dtype=x.dtype).at[dst].add(1.0)
    deg_inv_sqrt = jnp.where(deg > 0, deg ** -0.5, 0.0)
    norm = deg_inv_sqrt[src] * deg_inv_sqrt[dst]
    h = x @ W
    msg = h[src] * norm[:, None]
    out = jnp.zeros((n_nodes, W.shape[1]), dtype=x.dtype).at[dst].add(msg)
    return out + b


def setup_inputs(seed: int = 0) -> dict:
    key = jax.random.key(seed)
    k1, k2, k3, k4, k5, k6 = jax.random.split(key, 6)
    x = jax.random.normal(k1, (N_NODES, IN_CH), dtype=jnp.float32)
    edge_index = jax.random.randint(k2, (2, N_EDGES), 0, N_NODES, dtype=jnp.int64)
    s1 = (6.0 / (IN_CH + HID)) ** 0.5
    s2 = (6.0 / (HID + OUT_CH)) ** 0.5
    W1 = jax.random.uniform(k3, (IN_CH, HID), dtype=jnp.float32, minval=-s1, maxval=s1)
    b1 = jnp.zeros((HID,), dtype=jnp.float32)
    W2 = jax.random.uniform(k4, (HID, OUT_CH), dtype=jnp.float32, minval=-s2, maxval=s2)
    b2 = jnp.zeros((OUT_CH,), dtype=jnp.float32)
    return {"x": x, "edge_index": edge_index, "W1": W1, "b1": b1, "W2": W2, "b2": b2}


def reference(x, edge_index, W1, b1, W2, b2):
    n = x.shape[0]
    h = gcn_conv(x, edge_index, W1, b1, n)
    h = jax.nn.relu(h)
    # dropout is identity in eval mode (training=False)
    out = gcn_conv(h, edge_index, W2, b2, n)
    return out

if __name__ == "__main__":
    import jax
    _d = setup_inputs()
    print(jax.jit(kernel)(*tuple(_d.values())))

</pallas_src>

<mosaic_0001>
#map = affine_map<(d0, d1) -> (0)>
#map1 = affine_map<(d0, d1) -> (0, 0)>
#map2 = affine_map<(d0, d1) -> (0, 0, 0)>
module attributes {stable_mosaic.version = 14 : i64} {
  func.func @_agg_call(%arg0: i32, %arg1: i32, %arg2: memref<320000xi32, #tpu.memory_space<hbm>>, %arg3: memref<320000xi32, #tpu.memory_space<hbm>>, %arg4: memref<10000x128xf32, #tpu.memory_space<hbm>>, %arg5: memref<2x10240x128xf32, #tpu.memory_space<hbm>>, %arg6: memref<128xi32, #tpu.memory_space<vmem>>, %arg7: memref<128xi32, #tpu.memory_space<vmem>>, %arg8: memref<16xi32, #tpu.memory_space<vmem>>, %arg9: memref<16xi32, #tpu.memory_space<vmem>>, %arg10: memref<128x128xf32, #tpu.memory_space<vmem>>, %arg11: memref<10240x128xf32, #tpu.memory_space<vmem_shared>>, %arg12: memref<!tpu.dma_semaphore, #tpu.memory_space<semaphore_mem>>) attributes {dimension_semantics = [#tpu.dimension_semantics<core_parallel>, #tpu.dimension_semantics<subcore_parallel>], iteration_bounds = array<i64: 2, 16>, scalar_prefetch = 0 : i64, scratch_operands = 7 : i64, tpu.core_type = #tpu.core_type<sc_vector_subcore>, window_params = [{transform_indices = #map}, {transform_indices = #map}, {transform_indices = #map1}, {transform_indices = #map2}]} {
    %mul3A = arith.constant 16 : i32
    %mul3A_0 = arith.muli %arg0, %mul3A : i32
    %add3A = arith.addi %mul3A_0, %arg1 : i32
    %mul3A_1 = arith.constant 10000 : i32
    %mul3A_2 = arith.muli %add3A, %mul3A_1 : i32
    %scan3A = arith.constant 0 : i32
    %scan3A_3 = arith.constant 128 : i32
    %scan3A_4 = arith.addi %scan3A, %scan3A_3 : i32
    %scan3A_5 = arith.constant 1 : i32
    scf.for %scan3A_37 = %scan3A to %scan3A_4 step %scan3A_5  : i32 {
      %mul3A_38 = arith.constant 1 : i32
      %mul3A_39 = arith.muli %scan3A_37, %mul3A_38 : i32
      %add3A_40 = arith.constant 0 : i32
      %add3A_41 = arith.addi %add3A_40, %mul3A_39 : i32
      %broadcast_in_dim3A = arith.constant 0.000000e+00 : f32
      %broadcast_in_dim3A_42 = vector.broadcast %broadcast_in_dim3A : f32 to vector<16xf32>
      %swap3A = arith.index_cast %add3A_41 : i32 to index
      %swap3A_43 = arith.constant 0 : index
      %swap3A_44 = tpu.vector_load %arg10[%swap3A, %swap3A_43] {strides = array<i32>} : memref<128x128xf32, #tpu.memory_space<vmem>>, vector<1x16xf32>,
      %swap3A_45 = vector.shape_cast %swap3A_44 : vector<1x16xf32> to vector<16xf32>
      %swap3A_46 = vector.shape_cast %broadcast_in_dim3A_42 : vector<16xf32> to vector<1x16xf32>
      tpu.vector_store %arg10[%swap3A, %swap3A_43], %swap3A_46 {strides = array<i32>} : memref<128x128xf32, #tpu.memory_space<vmem>>, vector<1x16xf32>,
      %broadcast_in_dim3A_47 = arith.constant 0.000000e+00 : f32
      %broadcast_in_dim3A_48 = vector.broadcast %broadcast_in_dim3A_47 : f32 to vector<16xf32>
      %swap3A_49 = arith.index_cast %add3A_41 : i32 to index
      %swap3A_50 = arith.constant 16 : index
      %swap3A_51 = tpu.vector_load %arg10[%swap3A_49, %swap3A_50] {strides = array<i32>} : memref<128x128xf32, #tpu.memory_space<vmem>>, vector<1x16xf32>,
      %swap3A_52 = vector.shape_cast %swap3A_51 : vector<1x16xf32> to vector<16xf32>
      %swap3A_53 = vector.shape_cast %broadcast_in_dim3A_48 : vector<16xf32> to vector<1x16xf32>
      tpu.vector_store %arg10[%swap3A_49, %swap3A_50], %swap3A_53 {strides = array<i32>} : memref<128x128xf32, #tpu.memory_space<vmem>>, vector<1x16xf32>,
      %broadcast_in_dim3A_54 = arith.constant 0.000000e+00 : f32
      %broadcast_in_dim3A_55 = vector.broadcast %broadcast_in_dim3A_54 : f32 to vector<16xf32>
      %swap3A_56 = arith.index_cast %add3A_41 : i32 to index
      %swap3A_57 = arith.constant 32 : index
      %swap3A_58 = tpu.vector_load %arg10[%swap3A_56, %swap3A_57] {strides = array<i32>} : memref<128x128xf32, #tpu.memory_space<vmem>>, vector<1x16xf32>,
      %swap3A_59 = vector.shape_cast %swap3A_58 : vector<1x16xf32> to vector<16xf32>
      %swap3A_60 = vector.shape_cast %broadcast_in_dim3A_55 : vector<16xf32> to vector<1x16xf32>
      tpu.vector_store %arg10[%swap3A_56, %swap3A_57], %swap3A_60 {strides = array<i32>} : memref<128x128xf32, #tpu.memory_space<vmem>>, vector<1x16xf32>,
      %broadcast_in_dim3A_61 = arith.constant 0.000000e+00 : f32
      %broadcast_in_dim3A_62 = vector.broadcast %broadcast_in_dim3A_61 : f32 to vector<16xf32>
      %swap3A_63 = arith.index_cast %add3A_41 : i32 to index
      %swap3A_64 = arith.constant 48 : index
      %swap3A_65 = tpu.vector_load %arg10[%swap3A_63, %swap3A_64] {strides = array<i32>} : memref<128x128xf32, #tpu.memory_space<vmem>>, vector<1x16xf32>,
      %swap3A_66 = vector.shape_cast %swap3A_65 : vector<1x16xf32> to vector<16xf32>
      %swap3A_67 = vector.shape_cast %broadcast_in_dim3A_62 : vector<16xf32> to vector<1x16xf32>
      tpu.vector_store %arg10[%swap3A_63, %swap3A_64], %swap3A_67 {strides = array<i32>} : memref<128x128xf32, #tpu.memory_space<vmem>>, vector<1x16xf32>,
      %broadcast_in_dim3A_68 = arith.constant 0.000000e+00 : f32
      %broadcast_in_dim3A_69 = vector.broadcast %broadcast_in_dim3A_68 : f32 to vector<16xf32>
      %swap3A_70 = arith.index_cast %add3A_41 : i32 to index
      %swap3A_71 = arith.constant 64 : index
      %swap3A_72 = tpu.vector_load %arg10[%swap3A_70, %swap3A_71] {strides = array<i32>} : memref<128x128xf32, #tpu.memory_space<vmem>>, vector<1x16xf32>,
      %swap3A_73 = vector.shape_cast %swap3A_72 : vector<1x16xf32> to vector<16xf32>
      %swap3A_74 = vector.shape_cast %broadcast_in_dim3A_69 : vector<16xf32> to vector<1x16xf32>
      tpu.vector_store %arg10[%swap3A_70, %swap3A_71], %swap3A_74 {strides = array<i32>} : memref<128x128xf32, #tpu.memory_space<vmem>>, vector<1x16xf32>,
      %broadcast_in_dim3A_75 = arith.constant 0.000000e+00 : f32
      %broadcast_in_dim3A_76 = vector.broadcast %broadcast_in_dim3A_75 : f32 to vector<16xf32>
      %swap3A_77 = arith.index_cast %add3A_41 : i32 to index
      %swap3A_78 = arith.constant 80 : index
      %swap3A_79 = tpu.vector_load %arg10[%swap3A_77, %swap3A_78] {strides = array<i32>} : memref<128x128xf32, #tpu.memory_space<vmem>>, vector<1x16xf32>,
      %swap3A_80 = vector.shape_cast %swap3A_79 : vector<1x16xf32> to vector<16xf32>
      %swap3A_81 = vector.shape_cast %broadcast_in_dim3A_76 : vector<16xf32> to vector<1x16xf32>
      tpu.vector_store %arg10[%swap3A_77, %swap3A_78], %swap3A_81 {strides = array<i32>} : memref<128x128xf32, #tpu.memory_space<vmem>>, vector<1x16xf32>,
      %broadcast_in_dim3A_82 = arith.constant 0.000000e+00 : f32
      %broadcast_in_dim3A_83 = vector.broadcast %broadcast_in_dim3A_82 : f32 to vector<16xf32>
      %swap3A_84 = arith.index_cast %add3A_41 : i32 to index
      %swap3A_85 = arith.constant 96 : index
      %swap3A_86 = tpu.vector_load %arg10[%swap3A_84, %swap3A_85] {strides = array<i32>} : memref<128x128xf32, #tpu.memory_space<vmem>>, vector<1x16xf32>,
      %swap3A_87 = vector.shape_cast %swap3A_86 : vector<1x16xf32> to vector<16xf32>
      %swap3A_88 = vector.shape_cast %broadcast_in_dim3A_83 : vector<16xf32> to vector<1x16xf32>
      tpu.vector_store %arg10[%swap3A_84, %swap3A_85], %swap3A_88 {strides = array<i32>} : memref<128x128xf32, #tpu.memory_space<vmem>>, vector<1x16xf32>,
      %broadcast_in_dim3A_89 = arith.constant 0.000000e+00 : f32
      %broadcast_in_dim3A_90 = vector.broadcast %broadcast_in_dim3A_89 : f32 to vector<16xf32>
      %swap3A_91 = arith.index_cast %add3A_41 : i32 to index
      %swap3A_92 = arith.constant 112 : index
      %swap3A_93 = tpu.vector_load %arg10[%swap3A_91, %swap3A_92] {strides = array<i32>} : memref<128x128xf32, #tpu.memory_space<vmem>>, vector<1x16xf32>,
      %swap3A_94 = vector.shape_cast %swap3A_93 : vector<1x16xf32> to vector<16xf32>
      %swap3A_95 = vector.shape_cast %broadcast_in_dim3A_90 : vector<16xf32> to vector<1x16xf32>
      tpu.vector_store %arg10[%swap3A_91, %swap3A_92], %swap3A_95 {strides = array<i32>} : memref<128x128xf32, #tpu.memory_space<vmem>>, vector<1x16xf32>,
    }
    %scan3A_6 = arith.constant 128 : i32
    %mul3A_7 = arith.constant 640 : i32
    %mul3A_8 = arith.muli %arg1, %mul3A_7 : i32
    %add3A_9 = arith.constant 0 : i32
    %add3A_10 = arith.addi %mul3A_8, %add3A_9 : i32
    "tpu.region"() ({
      %run_scoped3A = tpu.sem_alloc : memref<!tpu.dma_semaphore, #tpu.memory_space<semaphore_mem>>
      %dma_start3A_37 = arith.constant 0 : i32
      %dma_start3A_38 = tpu.memref_slice %arg11[%add3A_10, %dma_start3A_37] : memref<10240x128xf32, #tpu.memory_space<vmem_shared>> -> memref<128x128xf32, #tpu.memory_space<vmem_shared>>
      %dma_start3A_39 = arith.constant 0 : i32
      %dma_start3A_40 = tpu.memref_slice %arg11[%add3A_10, %dma_start3A_39] : memref<10240x128xf32, #tpu.memory_space<vmem_shared>> -> memref<128x128xf32, #tpu.memory_space<vmem_shared>>
      tpu.enqueue_dma source(%arg10 : memref<128x128xf32, #tpu.memory_space<vmem>>) target(%dma_start3A_40 : memref<128x128xf32, #tpu.memory_space<vmem_shared>>) target_semaphore(%run_scoped3A : memref<!tpu.dma_semaphore, #tpu.memory_space<semaphore_mem>>)
      %dma_wait3A_41 = arith.constant 0 : i32
      %dma_wait3A_42 = tpu.memref_slice %arg11[%add3A_10, %dma_wait3A_41] : memref<10240x128xf32, #tpu.memory_space<vmem_shared>> -> memref<128x128xf32, #tpu.memory_space<vmem_shared>>
      %dma_wait3A_43 = arith.constant 0 : i32
      %dma_wait3A_44 = tpu.memref_slice %arg11[%add3A_10, %dma_wait3A_43] : memref<10240x128xf32, #tpu.memory_space<vmem_shared>> -> memref<128x128xf32, #tpu.memory_space<vmem_shared>>
      tpu.wait_dma2 semaphore(%run_scoped3A : memref<!tpu.dma_semaphore, #tpu.memory_space<semaphore_mem>>) src(%arg10 : memref<128x128xf32, #tpu.memory_space<vmem>>) dst(%dma_wait3A_44 : memref<128x128xf32, #tpu.memory_space<vmem_shared>>)
      tpu.yield
    }) : () -> ()
    %add3A_11 = arith.constant 128 : i32
    %add3A_12 = arith.addi %mul3A_8, %add3A_11 : i32
    "tpu.region"() ({
      %run_scoped3A = tpu.sem_alloc : memref<!tpu.dma_semaphore, #tpu.memory_space<semaphore_mem>>
      %dma_start3A_37 = arith.constant 0 : i32
      %dma_start3A_38 = tpu.memref_slice %arg11[%add3A_12, %dma_start3A_37] : memref<10240x128xf32, #tpu.memory_space<vmem_shared>> -> memref<128x128xf32, #tpu.memory_space<vmem_shared>>
      %dma_start3A_39 = arith.constant 0 : i32
      %dma_start3A_40 = tpu.memref_slice %arg11[%add3A_12, %dma_start3A_39] : memref<10240x128xf32, #tpu.memory_space<vmem_shared>> -> memref<128x128xf32, #tpu.memory_space<vmem_shared>>
      tpu.enqueue_dma source(%arg10 : memref<128x128xf32, #tpu.memory_space<vmem>>) target(%dma_start3A_40 : memref<128x128xf32, #tpu.memory_space<vmem_shared>>) target_semaphore(%run_scoped3A : memref<!tpu.dma_semaphore, #tpu.memory_space<semaphore_mem>>)
      %dma_wait3A_41 = arith.constant 0 : i32
      %dma_wait3A_42 = tpu.memref_slice %arg11[%add3A_12, %dma_wait3A_41] : memref<10240x128xf32, #tpu.memory_space<vmem_shared>> -> memref<128x128xf32, #tpu.memory_space<vmem_shared>>
      %dma_wait3A_43 = arith.constant 0 : i32
      %dma_wait3A_44 = tpu.memref_slice %arg11[%add3A_12, %dma_wait3A_43] : memref<10240x128xf32, #tpu.memory_space<vmem_shared>> -> memref<128x128xf32, #tpu.memory_space<vmem_shared>>
      tpu.wait_dma2 semaphore(%run_scoped3A : memref<!tpu.dma_semaphore, #tpu.memory_space<semaphore_mem>>) src(%arg10 : memref<128x128xf32, #tpu.memory_space<vmem>>) dst(%dma_wait3A_44 : memref<128x128xf32, #tpu.memory_space<vmem_shared>>)
      tpu.yield
    }) : () -> ()
    %add3A_13 = arith.constant 256 : i32
    %add3A_14 = arith.addi %mul3A_8, %add3A_13 : i32
    "tpu.region"() ({
      %run_scoped3A = tpu.sem_alloc : memref<!tpu.dma_semaphore, #tpu.memory_space<semaphore_mem>>
      %dma_start3A_37 = arith.constant 0 : i32
      %dma_start3A_38 = tpu.memref_slice %arg11[%add3A_14, %dma_start3A_37] : memref<10240x128xf32, #tpu.memory_space<vmem_shared>> -> memref<128x128xf32, #tpu.memory_space<vmem_shared>>
      %dma_start3A_39 = arith.constant 0 : i32
      %dma_start3A_40 = tpu.memref_slice %arg11[%add3A_14, %dma_start3A_39] : memref<10240x128xf32, #tpu.memory_space<vmem_shared>> -> memref<128x128xf32, #tpu.memory_space<vmem_shared>>
      tpu.enqueue_dma source(%arg10 : memref<128x128xf32, #tpu.memory_space<vmem>>) target(%dma_start3A_40 : memref<128x128xf32, #tpu.memory_space<vmem_shared>>) target_semaphore(%run_scoped3A : memref<!tpu.dma_semaphore, #tpu.memory_space<semaphore_mem>>)
      %dma_wait3A_41 = arith.constant 0 : i32
      %dma_wait3A_42 = tpu.memref_slice %arg11[%add3A_14, %dma_wait3A_41] : memref<10240x128xf32, #tpu.memory_space<vmem_shared>> -> memref<128x128xf32, #tpu.memory_space<vmem_shared>>
      %dma_wait3A_43 = arith.constant 0 : i32
      %dma_wait3A_44 = tpu.memref_slice %arg11[%add3A_14, %dma_wait3A_43] : memref<10240x128xf32, #tpu.memory_space<vmem_shared>> -> memref<128x128xf32, #tpu.memory_space<vmem_shared>>
      tpu.wait_dma2 semaphore(%run_scoped3A : memref<!tpu.dma_semaphore, #tpu.memory_space<semaphore_mem>>) src(%arg10 : memref<128x128xf32, #tpu.memory_space<vmem>>) dst(%dma_wait3A_44 : memref<128x128xf32, #tpu.memory_space<vmem_shared>>)
      tpu.yield
    }) : () -> ()
    %add3A_15 = arith.constant 384 : i32
    %add3A_16 = arith.addi %mul3A_8, %add3A_15 : i32
    "tpu.region"() ({
      %run_scoped3A = tpu.sem_alloc : memref<!tpu.dma_semaphore, #tpu.memory_space<semaphore_mem>>
      %dma_start3A_37 = arith.constant 0 : i32
      %dma_start3A_38 = tpu.memref_slice %arg11[%add3A_16, %dma_start3A_37] : memref<10240x128xf32, #tpu.memory_space<vmem_shared>> -> memref<128x128xf32, #tpu.memory_space<vmem_shared>>
      %dma_start3A_39 = arith.constant 0 : i32
      %dma_start3A_40 = tpu.memref_slice %arg11[%add3A_16, %dma_start3A_39] : memref<10240x128xf32, #tpu.memory_space<vmem_shared>> -> memref<128x128xf32, #tpu.memory_space<vmem_shared>>
      tpu.enqueue_dma source(%arg10 : memref<128x128xf32, #tpu.memory_space<vmem>>) target(%dma_start3A_40 : memref<128x128xf32, #tpu.memory_space<vmem_shared>>) target_semaphore(%run_scoped3A : memref<!tpu.dma_semaphore, #tpu.memory_space<semaphore_mem>>)
      %dma_wait3A_41 = arith.constant 0 : i32
      %dma_wait3A_42 = tpu.memref_slice %arg11[%add3A_16, %dma_wait3A_41] : memref<10240x128xf32, #tpu.memory_space<vmem_shared>> -> memref<128x128xf32, #tpu.memory_space<vmem_shared>>
      %dma_wait3A_43 = arith.constant 0 : i32
      %dma_wait3A_44 = tpu.memref_slice %arg11[%add3A_16, %dma_wait3A_43] : memref<10240x128xf32, #tpu.memory_space<vmem_shared>> -> memref<128x128xf32, #tpu.memory_space<vmem_shared>>
      tpu.wait_dma2 semaphore(%run_scoped3A : memref<!tpu.dma_semaphore, #tpu.memory_space<semaphore_mem>>) src(%arg10 : memref<128x128xf32, #tpu.memory_space<vmem>>) dst(%dma_wait3A_44 : memref<128x128xf32, #tpu.memory_space<vmem_shared>>)
      tpu.yield
    }) : () -> ()
    %add3A_17 = arith.constant 512 : i32
    %add3A_18 = arith.addi %mul3A_8, %add3A_17 : i32
    "tpu.region"() ({
      %run_scoped3A = tpu.sem_alloc : memref<!tpu.dma_semaphore, #tpu.memory_space<semaphore_mem>>
      %dma_start3A_37 = arith.constant 0 : i32
      %dma_start3A_38 = tpu.memref_slice %arg11[%add3A_18, %dma_start3A_37] : memref<10240x128xf32, #tpu.memory_space<vmem_shared>> -> memref<128x128xf32, #tpu.memory_space<vmem_shared>>
      %dma_start3A_39 = arith.constant 0 : i32
      %dma_start3A_40 = tpu.memref_slice %arg11[%add3A_18, %dma_start3A_39] : memref<10240x128xf32, #tpu.memory_space<vmem_shared>> -> memref<128x128xf32, #tpu.memory_space<vmem_shared>>
      tpu.enqueue_dma source(%arg10 : memref<128x128xf32, #tpu.memory_space<vmem>>) target(%dma_start3A_40 : memref<128x128xf32, #tpu.memory_space<vmem_shared>>) target_semaphore(%run_scoped3A : memref<!tpu.dma_semaphore, #tpu.memory_space<semaphore_mem>>)
      %dma_wait3A_41 = arith.constant 0 : i32
      %dma_wait3A_42 = tpu.memref_slice %arg11[%add3A_18, %dma_wait3A_41] : memref<10240x128xf32, #tpu.memory_space<vmem_shared>> -> memref<128x128xf32, #tpu.memory_space<vmem_shared>>
      %dma_wait3A_43 = arith.constant 0 : i32
      %dma_wait3A_44 = tpu.memref_slice %arg11[%add3A_18, %dma_wait3A_43] : memref<10240x128xf32, #tpu.memory_space<vmem_shared>> -> memref<128x128xf32, #tpu.memory_space<vmem_shared>>
      tpu.wait_dma2 semaphore(%run_scoped3A : memref<!tpu.dma_semaphore, #tpu.memory_space<semaphore_mem>>) src(%arg10 : memref<128x128xf32, #tpu.memory_space<vmem>>) dst(%dma_wait3A_44 : memref<128x128xf32, #tpu.memory_space<vmem_shared>>)
      tpu.yield
    }) : () -> ()
    %barrier3A = arith.constant 0 : index
    tpu.barrier barrier_id(%barrier3A)
    %scan3A_19 = arith.constant 0 : i32
    %scan3A_20 = arith.constant 78 : i32
    %scan3A_21 = arith.addi %scan3A_19, %scan3A_20 : i32
    %scan3A_22 = arith.constant 1 : i32
    scf.for %scan3A_37 = %scan3A_19 to %scan3A_21 step %scan3A_22  : i32 {
      %mul3A_38 = arith.constant 1 : i32
      %mul3A_39 = arith.muli %scan3A_37, %mul3A_38 : i32
      %add3A_40 = arith.constant 0 : i32
      %add3A_41 = arith.addi %add3A_40, %mul3A_39 : i32
      %mul3A_42 = arith.constant 128 : i32
      %mul3A_43 = arith.muli %add3A_41, %mul3A_42 : i32
      %add3A_44 = arith.addi %mul3A_2, %mul3A_43 : i32
      "tpu.region"() ({
        %run_scoped3A = tpu.sem_alloc : memref<!tpu.dma_semaphore, #tpu.memory_space<semaphore_mem>>
        %dma_start3A_51 = tpu.memref_slice %arg2[%add3A_44] : memref<320000xi32, #tpu.memory_space<hbm>> -> memref<128xi32, #tpu.memory_space<hbm>>
        %dma_start3A_52 = tpu.memref_slice %arg2[%add3A_44] : memref<320000xi32, #tpu.memory_space<hbm>> -> memref<128xi32, #tpu.memory_space<hbm>>
        tpu.enqueue_dma source(%dma_start3A_52 : memref<128xi32, #tpu.memory_space<hbm>>) target(%arg6 : memref<128xi32, #tpu.memory_space<vmem>>) target_semaphore(%run_scoped3A : memref<!tpu.dma_semaphore, #tpu.memory_space<semaphore_mem>>)
        %dma_wait3A_53 = tpu.memref_slice %arg2[%add3A_44] : memref<320000xi32, #tpu.memory_space<hbm>> -> memref<128xi32, #tpu.memory_space<hbm>>
        %dma_wait3A_54 = tpu.memref_slice %arg2[%add3A_44] : memref<320000xi32, #tpu.memory_space<hbm>> -> memref<128xi32, #tpu.memory_space<hbm>>
        tpu.wait_dma2 semaphore(%run_scoped3A : memref<!tpu.dma_semaphore, #tpu.memory_space<semaphore_mem>>) src(%dma_wait3A_54 : memref<128xi32, #tpu.memory_space<hbm>>) dst(%arg6 : memref<128xi32, #tpu.memory_space<vmem>>)
        tpu.yield
      }) : () -> ()
      "tpu.region"() ({
        %run_scoped3A = tpu.sem_alloc : memref<!tpu.dma_semaphore, #tpu.memory_space<semaphore_mem>>
        %dma_start3A_51 = tpu.memref_slice %arg3[%add3A_44] : memref<320000xi32, #tpu.memory_space<hbm>> -> memref<128xi32, #tpu.memory_space<hbm>>
        %dma_start3A_52 = tpu.memref_slice %arg3[%add3A_44] : memref<320000xi32, #tpu.memory_space<hbm>> -> memref<128xi32, #tpu.memory_space<hbm>>
        tpu.enqueue_dma source(%dma_start3A_52 : memref<128xi32, #tpu.memory_space<hbm>>) target(%arg7 : memref<128xi32, #tpu.memory_space<vmem>>) target_semaphore(%run_scoped3A : memref<!tpu.dma_semaphore, #tpu.memory_space<semaphore_mem>>)
        %dma_wait3A_53 = tpu.memref_slice %arg3[%add3A_44] : memref<320000xi32, #tpu.memory_space<hbm>> -> memref<128xi32, #tpu.memory_space<hbm>>
        %dma_wait3A_54 = tpu.memref_slice %arg3[%add3A_44] : memref<320000xi32, #tpu.memory_space<hbm>> -> memref<128xi32, #tpu.memory_space<hbm>>
        tpu.wait_dma2 semaphore(%run_scoped3A : memref<!tpu.dma_semaphore, #tpu.memory_space<semaphore_mem>>) src(%dma_wait3A_54 : memref<128xi32, #tpu.memory_space<hbm>>) dst(%arg7 : memref<128xi32, #tpu.memory_space<vmem>>)
        tpu.yield
      }) : () -> ()
      %dma_start3A_45 = arith.constant 0 : i32
      %dma_start3A_46 = arith.constant 0 : i32
      %dma_start3A_47 = tpu.memref_slice %arg4[%dma_start3A_45, %dma_start3A_46] : memref<10000x128xf32, #tpu.memory_space<hbm>> -> memref<10000x128xf32, #tpu.memory_space<hbm>>
      tpu.enqueue_indirect_dma source(%dma_start3A_47 : memref<10000x128xf32, #tpu.memory_space<hbm>>) target(%arg10 : memref<128x128xf32, #tpu.memory_space<vmem>>) offsets(%arg6 : memref<128xi32, #tpu.memory_space<vmem>>) semaphore(%arg12 : memref<!tpu.dma_semaphore, #tpu.memory_space<semaphore_mem>>)
      %dma_wait3A_48 = arith.constant 0 : i32
      %dma_wait3A_49 = arith.constant 0 : i32
      %dma_wait3A_50 = tpu.memref_slice %arg4[%dma_wait3A_48, %dma_wait3A_49] : memref<10000x128xf32, #tpu.memory_space<hbm>> -> memref<10000x128xf32, #tpu.memory_space<hbm>>
      tpu.wait_indirect_dma semaphore(%arg12 : memref<!tpu.dma_semaphore, #tpu.memory_space<semaphore_mem>>) src(%dma_wait3A_50 : memref<10000x128xf32, #tpu.memory_space<hbm>>) dst(%arg10 : memref<128x128xf32, #tpu.memory_space<vmem>>)
      "tpu.region"() ({
        %run_scoped3A = tpu.sem_alloc : memref<!tpu.dma_semaphore, #tpu.memory_space<semaphore_mem>>
        %dma_start3A_51 = arith.constant 0 : i32
        %dma_start3A_52 = arith.constant 0 : i32
        %dma_start3A_53 = tpu.memref_slice %arg11[%dma_start3A_51, %dma_start3A_52] : memref<10240x128xf32, #tpu.memory_space<vmem_shared>> -> memref<10240x128xf32, #tpu.memory_space<vmem_shared>>
        tpu.enqueue_indirect_dma source(%arg10 : memref<128x128xf32, #tpu.memory_space<vmem>>) target(%dma_start3A_53 : memref<10240x128xf32, #tpu.memory_space<vmem_shared>>) offsets(%arg7 : memref<128xi32, #tpu.memory_space<vmem>>) semaphore(%run_scoped3A : memref<!tpu.dma_semaphore, #tpu.memory_space<semaphore_mem>>) {add = true}
        %dma_wait3A_54 = arith.constant 0 : i32
        %dma_wait3A_55 = arith.constant 0 : i32
        %dma_wait3A_56 = tpu.memref_slice %arg11[%dma_wait3A_54, %dma_wait3A_55] : memref<10240x128xf32, #tpu.memory_space<vmem_shared>> -> memref<10240x128xf32, #tpu.memory_space<vmem_shared>>
        tpu.wait_indirect_dma semaphore(%run_scoped3A : memref<!tpu.dma_semaphore, #tpu.memory_space<semaphore_mem>>) src(%arg10 : memref<128x128xf32, #tpu.memory_space<vmem>>) dst(%dma_wait3A_56 : memref<10240x128xf32, #tpu.memory_space<vmem_shared>>)
        tpu.yield
      }) : () -> ()
    }
    %scan3A_23 = arith.constant 78 : i32
    %add3A_24 = arith.constant 9984 : i32
    %add3A_25 = arith.addi %mul3A_2, %add3A_24 : i32
    "tpu.region"() ({
      %run_scoped3A = tpu.sem_alloc : memref<!tpu.dma_semaphore, #tpu.memory_space<semaphore_mem>>
      %dma_start3A_37 = tpu.memref_slice %arg2[%add3A_25] : memref<320000xi32, #tpu.memory_space<hbm>> -> memref<16xi32, #tpu.memory_space<hbm>>
      %dma_start3A_38 = tpu.memref_slice %arg2[%add3A_25] : memref<320000xi32, #tpu.memory_space<hbm>> -> memref<16xi32, #tpu.memory_space<hbm>>
      tpu.enqueue_dma source(%dma_start3A_38 : memref<16xi32, #tpu.memory_space<hbm>>) target(%arg8 : memref<16xi32, #tpu.memory_space<vmem>>) target_semaphore(%run_scoped3A : memref<!tpu.dma_semaphore, #tpu.memory_space<semaphore_mem>>)
      %dma_wait3A_39 = tpu.memref_slice %arg2[%add3A_25] : memref<320000xi32, #tpu.memory_space<hbm>> -> memref<16xi32, #tpu.memory_space<hbm>>
      %dma_wait3A_40 = tpu.memref_slice %arg2[%add3A_25] : memref<320000xi32, #tpu.memory_space<hbm>> -> memref<16xi32, #tpu.memory_space<hbm>>
      tpu.wait_dma2 semaphore(%run_scoped3A : memref<!tpu.dma_semaphore, #tpu.memory_space<semaphore_mem>>) src(%dma_wait3A_40 : memref<16xi32, #tpu.memory_space<hbm>>) dst(%arg8 : memref<16xi32, #tpu.memory_space<vmem>>)
      tpu.yield
    }) : () -> ()
    "tpu.region"() ({
      %run_scoped3A = tpu.sem_alloc : memref<!tpu.dma_semaphore, #tpu.memory_space<semaphore_mem>>
      %dma_start3A_37 = tpu.memref_slice %arg3[%add3A_25] : memref<320000xi32, #tpu.memory_space<hbm>> -> memref<16xi32, #tpu.memory_space<hbm>>
      %dma_start3A_38 = tpu.memref_slice %arg3[%add3A_25] : memref<320000xi32, #tpu.memory_space<hbm>> -> memref<16xi32, #tpu.memory_space<hbm>>
      tpu.enqueue_dma source(%dma_start3A_38 : memref<16xi32, #tpu.memory_space<hbm>>) target(%arg9 : memref<16xi32, #tpu.memory_space<vmem>>) target_semaphore(%run_scoped3A : memref<!tpu.dma_semaphore, #tpu.memory_space<semaphore_mem>>)
      %dma_wait3A_39 = tpu.memref_slice %arg3[%add3A_25] : memref<320000xi32, #tpu.memory_space<hbm>> -> memref<16xi32, #tpu.memory_space<hbm>>
      %dma_wait3A_40 = tpu.memref_slice %arg3[%add3A_25] : memref<320000xi32, #tpu.memory_space<hbm>> -> memref<16xi32, #tpu.memory_space<hbm>>
      tpu.wait_dma2 semaphore(%run_scoped3A : memref<!tpu.dma_semaphore, #tpu.memory_space<semaphore_mem>>) src(%dma_wait3A_40 : memref<16xi32, #tpu.memory_space<hbm>>) dst(%arg9 : memref<16xi32, #tpu.memory_space<vmem>>)
      tpu.yield
    }) : () -> ()
    %dma_start3A = arith.constant 0 : i32
    %dma_start3A_26 = arith.constant 0 : i32
    %dma_start3A_27 = tpu.memref_slice %arg10[%dma_start3A, %dma_start3A_26] : memref<128x128xf32, #tpu.memory_space<vmem>> -> memref<16x128xf32, #tpu.memory_space<vmem>>
    %dma_start3A_28 = arith.constant 0 : i32
    %dma_start3A_29 = arith.constant 0 : i32
    %dma_start3A_30 = tpu.memref_slice %arg4[%dma_start3A_28, %dma_start3A_29] : memref<10000x128xf32, #tpu.memory_space<hbm>> -> memref<10000x128xf32, #tpu.memory_space<hbm>>
    tpu.enqueue_indirect_dma source(%dma_start3A_30 : memref<10000x128xf32, #tpu.memory_space<hbm>>) target(%dma_start3A_27 : memref<16x128xf32, #tpu.memory_space<vmem>>) offsets(%arg8 : memref<16xi32, #tpu.memory_space<vmem>>) semaphore(%arg12 : memref<!tpu.dma_semaphore, #tpu.memory_space<semaphore_mem>>)
    %dma_wait3A = arith.constant 0 : i32
    %dma_wait3A_31 = arith.constant 0 : i32
    %dma_wait3A_32 = tpu.memref_slice %arg10[%dma_wait3A, %dma_wait3A_31] : memref<128x128xf32, #tpu.memory_space<vmem>> -> memref<16x128xf32, #tpu.memory_space<vmem>>
    %dma_wait3A_33 = arith.constant 0 : i32
    %dma_wait3A_34 = arith.constant 0 : i32
    %dma_wait3A_35 = tpu.memref_slice %arg4[%dma_wait3A_33, %dma_wait3A_34] : memref<10000x128xf32, #tpu.memory_space<hbm>> -> memref<10000x128xf32, #tpu.memory_space<hbm>>
    tpu.wait_indirect_dma semaphore(%arg12 : memref<!tpu.dma_semaphore, #tpu.memory_space<semaphore_mem>>) src(%dma_wait3A_35 : memref<10000x128xf32, #tpu.memory_space<hbm>>) dst(%dma_wait3A_32 : memref<16x128xf32, #tpu.memory_space<vmem>>)
    "tpu.region"() ({
      %run_scoped3A = tpu.sem_alloc : memref<!tpu.dma_semaphore, #tpu.memory_space<semaphore_mem>>
      %dma_start3A_37 = arith.constant 0 : i32
      %dma_start3A_38 = arith.constant 0 : i32
      %dma_start3A_39 = tpu.memref_slice %arg10[%dma_start3A_37, %dma_start3A_38] : memref<128x128xf32, #tpu.memory_space<vmem>> -> memref<16x128xf32, #tpu.memory_space<vmem>>
      %dma_start3A_40 = arith.constant 0 : i32
      %dma_start3A_41 = arith.constant 0 : i32
      %dma_start3A_42 = tpu.memref_slice %arg11[%dma_start3A_40, %dma_start3A_41] : memref<10240x128xf32, #tpu.memory_space<vmem_shared>> -> memref<10240x128xf32, #tpu.memory_space<vmem_shared>>
      tpu.enqueue_indirect_dma source(%dma_start3A_39 : memref<16x128xf32, #tpu.memory_space<vmem>>) target(%dma_start3A_42 : memref<10240x128xf32, #tpu.memory_space<vmem_shared>>) offsets(%arg9 : memref<16xi32, #tpu.memory_space<vmem>>) semaphore(%run_scoped3A : memref<!tpu.dma_semaphore, #tpu.memory_space<semaphore_mem>>) {add = true}
      %dma_wait3A_43 = arith.constant 0 : i32
      %dma_wait3A_44 = arith.constant 0 : i32
      %dma_wait3A_45 = tpu.memref_slice %arg10[%dma_wait3A_43, %dma_wait3A_44] : memref<128x128xf32, #tpu.memory_space<vmem>> -> memref<16x128xf32, #tpu.memory_space<vmem>>
      %dma_wait3A_46 = arith.constant 0 : i32
      %dma_wait3A_47 = arith.constant 0 : i32
      %dma_wait3A_48 = tpu.memref_slice %arg11[%dma_wait3A_46, %dma_wait3A_47] : memref<10240x128xf32, #tpu.memory_space<vmem_shared>> -> memref<10240x128xf32, #tpu.memory_space<vmem_shared>>
      tpu.wait_indirect_dma semaphore(%run_scoped3A : memref<!tpu.dma_semaphore, #tpu.memory_space<semaphore_mem>>) src(%dma_wait3A_45 : memref<16x128xf32, #tpu.memory_space<vmem>>) dst(%dma_wait3A_48 : memref<10240x128xf32, #tpu.memory_space<vmem_shared>>)
      tpu.yield
    }) : () -> ()
    %barrier3A_36 = arith.constant 0 : index
    tpu.barrier barrier_id(%barrier3A_36)
    "tpu.region"() ({
      %run_scoped3A = tpu.sem_alloc : memref<!tpu.dma_semaphore, #tpu.memory_space<semaphore_mem>>
      %dma_start3A_37 = arith.constant 0 : i32
      %dma_start3A_38 = arith.constant 0 : i32
      %dma_start3A_39 = tpu.memref_slice %arg5[%arg0, %dma_start3A_37, %dma_start3A_38] : memref<2x10240x128xf32, #tpu.memory_space<hbm>> -> memref<1x10240x128xf32, #tpu.memory_space<hbm>>
      %dma_start3A_40 = tpu.memref_squeeze %dma_start3A_39 : memref<1x10240x128xf32, #tpu.memory_space<hbm>> -> memref<10240x128xf32, #tpu.memory_space<hbm>>
      %dma_start3A_41 = arith.constant 0 : i32
      %dma_start3A_42 = tpu.memref_slice %dma_start3A_40[%mul3A_8, %dma_start3A_41] : memref<10240x128xf32, #tpu.memory_space<hbm>> -> memref<640x128xf32, #tpu.memory_space<hbm>>
      %dma_start3A_43 = arith.constant 0 : i32
      %dma_start3A_44 = tpu.memref_slice %arg11[%mul3A_8, %dma_start3A_43] : memref<10240x128xf32, #tpu.memory_space<vmem_shared>> -> memref<640x128xf32, #tpu.memory_space<vmem_shared>>
      tpu.enqueue_dma source(%dma_start3A_44 : memref<640x128xf32, #tpu.memory_space<vmem_shared>>) target(%dma_start3A_42 : memref<640x128xf32, #tpu.memory_space<hbm>>) target_semaphore(%run_scoped3A : memref<!tpu.dma_semaphore, #tpu.memory_space<semaphore_mem>>)
      %dma_wait3A_45 = arith.constant 0 : i32
      %dma_wait3A_46 = arith.constant 0 : i32
      %dma_wait3A_47 = tpu.memref_slice %arg5[%arg0, %dma_wait3A_45, %dma_wait3A_46] : memref<2x10240x128xf32, #tpu.memory_space<hbm>> -> memref<1x10240x128xf32, #tpu.memory_space<hbm>>
      %dma_wait3A_48 = tpu.memref_squeeze %dma_wait3A_47 : memref<1x10240x128xf32, #tpu.memory_space<hbm>> -> memref<10240x128xf32, #tpu.memory_space<hbm>>
      %dma_wait3A_49 = arith.constant 0 : i32
      %dma_wait3A_50 = tpu.memref_slice %dma_wait3A_48[%mul3A_8, %dma_wait3A_49] : memref<10240x128xf32, #tpu.memory_space<hbm>> -> memref<640x128xf32, #tpu.memory_space<hbm>>
      %dma_wait3A_51 = arith.constant 0 : i32
      %dma_wait3A_52 = tpu.memref_slice %arg11[%mul3A_8, %dma_wait3A_51] : memref<10240x128xf32, #tpu.memory_space<vmem_shared>> -> memref<640x128xf32, #tpu.memory_space<vmem_shared>>
      tpu.wait_dma2 semaphore(%run_scoped3A : memref<!tpu.dma_semaphore, #tpu.memory_space<semaphore_mem>>) src(%dma_wait3A_52 : memref<640x128xf32, #tpu.memory_space<vmem_shared>>) dst(%dma_wait3A_50 : memref<640x128xf32, #tpu.memory_space<hbm>>)
      tpu.yield
    }) : () -> ()
    return
  }
}

#map = affine_map<(d0, d1) -> (0, 0)>
module attributes {stable_mosaic.version = 14 : i64} {
  func.func @_deg_call(%arg0: i32, %arg1: i32, %arg2: memref<2560x128xi32, #tpu.memory_space<hbm>>, %arg3: memref<2x10240xf32, #tpu.memory_space<hbm>>, %arg4: memref<80x128xi32, #tpu.memory_space<vmem>>, %arg5: memref<128xf32, #tpu.memory_space<vmem>>, %arg6: memref<10240xf32, #tpu.memory_space<vmem_shared>>, %arg7: memref<!tpu.dma_semaphore, #tpu.memory_space<semaphore_mem>>) attributes {dimension_semantics = [#tpu.dimension_semantics<core_parallel>, #tpu.dimension_semantics<subcore_parallel>], iteration_bounds = array<i64: 2, 16>, scalar_prefetch = 0 : i64, scratch_operands = 4 : i64, tpu.core_type = #tpu.core_type<sc_vector_subcore>, window_params = [{transform_indices = #map}, {transform_indices = #map}]} {
    %mul3A = arith.constant 16 : i32
    %mul3A_0 = arith.muli %arg0, %mul3A : i32
    %add3A = arith.addi %mul3A_0, %arg1 : i32
    %mul3A_1 = arith.constant 80 : i32
    %mul3A_2 = arith.muli %add3A, %mul3A_1 : i32
    "tpu.region"() ({
      %run_scoped3A = tpu.sem_alloc : memref<!tpu.dma_semaphore, #tpu.memory_space<semaphore_mem>>
      %dma_start3A = arith.constant 0 : i32
      %dma_start3A_35 = tpu.memref_slice %arg2[%mul3A_2, %dma_start3A] : memref<2560x128xi32, #tpu.memory_space<hbm>> -> memref<80x128xi32, #tpu.memory_space<hbm>>
      %dma_start3A_36 = arith.constant 0 : i32
      %dma_start3A_37 = tpu.memref_slice %arg2[%mul3A_2, %dma_start3A_36] : memref<2560x128xi32, #tpu.memory_space<hbm>> -> memref<80x128xi32, #tpu.memory_space<hbm>>
      tpu.enqueue_dma source(%dma_start3A_37 : memref<80x128xi32, #tpu.memory_space<hbm>>) target(%arg4 : memref<80x128xi32, #tpu.memory_space<vmem>>) target_semaphore(%run_scoped3A : memref<!tpu.dma_semaphore, #tpu.memory_space<semaphore_mem>>)
      %dma_wait3A = arith.constant 0 : i32
      %dma_wait3A_38 = tpu.memref_slice %arg2[%mul3A_2, %dma_wait3A] : memref<2560x128xi32, #tpu.memory_space<hbm>> -> memref<80x128xi32, #tpu.memory_space<hbm>>
      %dma_wait3A_39 = arith.constant 0 : i32
      %dma_wait3A_40 = tpu.memref_slice %arg2[%mul3A_2, %dma_wait3A_39] : memref<2560x128xi32, #tpu.memory_space<hbm>> -> memref<80x128xi32, #tpu.memory_space<hbm>>
      tpu.wait_dma2 semaphore(%run_scoped3A : memref<!tpu.dma_semaphore, #tpu.memory_space<semaphore_mem>>) src(%dma_wait3A_40 : memref<80x128xi32, #tpu.memory_space<hbm>>) dst(%arg4 : memref<80x128xi32, #tpu.memory_space<vmem>>)
      tpu.yield
    }) : () -> ()
    %scan3A = arith.constant 0 : i32
    %scan3A_3 = arith.constant 8 : i32
    %scan3A_4 = arith.addi %scan3A, %scan3A_3 : i32
    %scan3A_5 = arith.constant 1 : i32
    scf.for %scan3A_35 = %scan3A to %scan3A_4 step %scan3A_5  : i32 {
      %mul3A_36 = arith.constant 1 : i32
      %mul3A_37 = arith.muli %scan3A_35, %mul3A_36 : i32
      %add3A_38 = arith.constant 0 : i32
      %add3A_39 = arith.addi %add3A_38, %mul3A_37 : i32
      %broadcast_in_dim3A = arith.constant 0.000000e+00 : f32
      %broadcast_in_dim3A_40 = vector.broadcast %broadcast_in_dim3A : f32 to vector<16xf32>
      %mul3A_41 = arith.constant 16 : i32
      %mul3A_42 = arith.muli %add3A_39, %mul3A_41 : i32
      %swap3A = arith.index_cast %mul3A_42 : i32 to index
      %swap3A_43 = tpu.vector_load %arg5[%swap3A] {strides = array<i32>} : memref<128xf32, #tpu.memory_space<vmem>>, vector<16xf32>,
      %swap3A_44 = vector.shape_cast %swap3A_43 : vector<16xf32> to vector<16xf32>
      %swap3A_45 = vector.shape_cast %broadcast_in_dim3A_40 : vector<16xf32> to vector<16xf32>
      tpu.vector_store %arg5[%swap3A], %swap3A_45 {strides = array<i32>} : memref<128xf32, #tpu.memory_space<vmem>>, vector<16xf32>,
    }
    %scan3A_6 = arith.constant 8 : i32
    %mul3A_7 = arith.constant 640 : i32
    %mul3A_8 = arith.muli %arg1, %mul3A_7 : i32
    %add3A_9 = arith.constant 0 : i32
    %add3A_10 = arith.addi %mul3A_8, %add3A_9 : i32
    "tpu.region"() ({
      %run_scoped3A = tpu.sem_alloc : memref<!tpu.dma_semaphore, #tpu.memory_space<semaphore_mem>>
      %dma_start3A = tpu.memref_slice %arg6[%add3A_10] : memref<10240xf32, #tpu.memory_space<vmem_shared>> -> memref<128xf32, #tpu.memory_space<vmem_shared>>
      %dma_start3A_35 = tpu.memref_slice %arg6[%add3A_10] : memref<10240xf32, #tpu.memory_space<vmem_shared>> -> memref<128xf32, #tpu.memory_space<vmem_shared>>
      tpu.enqueue_dma source(%arg5 : memref<128xf32, #tpu.memory_space<vmem>>) target(%dma_start3A_35 : memref<128xf32, #tpu.memory_space<vmem_shared>>) target_semaphore(%run_scoped3A : memref<!tpu.dma_semaphore, #tpu.memory_space<semaphore_mem>>)
      %dma_wait3A = tpu.memref_slice %arg6[%add3A_10] : memref<10240xf32, #tpu.memory_space<vmem_shared>> -> memref<128xf32, #tpu.memory_space<vmem_shared>>
      %dma_wait3A_36 = tpu.memref_slice %arg6[%add3A_10] : memref<10240xf32, #tpu.memory_space<vmem_shared>> -> memref<128xf32, #tpu.memory_space<vmem_shared>>
      tpu.wait_dma2 semaphore(%run_scoped3A : memref<!tpu.dma_semaphore, #tpu.memory_space<semaphore_mem>>) src(%arg5 : memref<128xf32, #tpu.memory_space<vmem>>) dst(%dma_wait3A_36 : memref<128xf32, #tpu.memory_space<vmem_shared>>)
      tpu.yield
    }) : () -> ()
    %add3A_11 = arith.constant 128 : i32
    %add3A_12 = arith.addi %mul3A_8, %add3A_11 : i32
    "tpu.region"() ({
      %run_scoped3A = tpu.sem_alloc : memref<!tpu.dma_semaphore, #tpu.memory_space<semaphore_mem>>
      %dma_start3A = tpu.memref_slice %arg6[%add3A_12] : memref<10240xf32, #tpu.memory_space<vmem_shared>> -> memref<128xf32, #tpu.memory_space<vmem_shared>>
      %dma_start3A_35 = tpu.memref_slice %arg6[%add3A_12] : memref<10240xf32, #tpu.memory_space<vmem_shared>> -> memref<128xf32, #tpu.memory_space<vmem_shared>>
      tpu.enqueue_dma source(%arg5 : memref<128xf32, #tpu.memory_space<vmem>>) target(%dma_start3A_35 : memref<128xf32, #tpu.memory_space<vmem_shared>>) target_semaphore(%run_scoped3A : memref<!tpu.dma_semaphore, #tpu.memory_space<semaphore_mem>>)
      %dma_wait3A = tpu.memref_slice %arg6[%add3A_12] : memref<10240xf32, #tpu.memory_space<vmem_shared>> -> memref<128xf32, #tpu.memory_space<vmem_shared>>
      %dma_wait3A_36 = tpu.memref_slice %arg6[%add3A_12] : memref<10240xf32, #tpu.memory_space<vmem_shared>> -> memref<128xf32, #tpu.memory_space<vmem_shared>>
      tpu.wait_dma2 semaphore(%run_scoped3A : memref<!tpu.dma_semaphore, #tpu.memory_space<semaphore_mem>>) src(%arg5 : memref<128xf32, #tpu.memory_space<vmem>>) dst(%dma_wait3A_36 : memref<128xf32, #tpu.memory_space<vmem_shared>>)
      tpu.yield
    }) : () -> ()
    %add3A_13 = arith.constant 256 : i32
    %add3A_14 = arith.addi %mul3A_8, %add3A_13 : i32
    "tpu.region"() ({
      %run_scoped3A = tpu.sem_alloc : memref<!tpu.dma_semaphore, #tpu.memory_space<semaphore_mem>>
      %dma_start3A = tpu.memref_slice %arg6[%add3A_14] : memref<10240xf32, #tpu.memory_space<vmem_shared>> -> memref<128xf32, #tpu.memory_space<vmem_shared>>
      %dma_start3A_35 = tpu.memref_slice %arg6[%add3A_14] : memref<10240xf32, #tpu.memory_space<vmem_shared>> -> memref<128xf32, #tpu.memory_space<vmem_shared>>
      tpu.enqueue_dma source(%arg5 : memref<128xf32, #tpu.memory_space<vmem>>) target(%dma_start3A_35 : memref<128xf32, #tpu.memory_space<vmem_shared>>) target_semaphore(%run_scoped3A : memref<!tpu.dma_semaphore, #tpu.memory_space<semaphore_mem>>)
      %dma_wait3A = tpu.memref_slice %arg6[%add3A_14] : memref<10240xf32, #tpu.memory_space<vmem_shared>> -> memref<128xf32, #tpu.memory_space<vmem_shared>>
      %dma_wait3A_36 = tpu.memref_slice %arg6[%add3A_14] : memref<10240xf32, #tpu.memory_space<vmem_shared>> -> memref<128xf32, #tpu.memory_space<vmem_shared>>
      tpu.wait_dma2 semaphore(%run_scoped3A : memref<!tpu.dma_semaphore, #tpu.memory_space<semaphore_mem>>) src(%arg5 : memref<128xf32, #tpu.memory_space<vmem>>) dst(%dma_wait3A_36 : memref<128xf32, #tpu.memory_space<vmem_shared>>)
      tpu.yield
    }) : () -> ()
    %add3A_15 = arith.constant 384 : i32
    %add3A_16 = arith.addi %mul3A_8, %add3A_15 : i32
    "tpu.region"() ({
      %run_scoped3A = tpu.sem_alloc : memref<!tpu.dma_semaphore, #tpu.memory_space<semaphore_mem>>
      %dma_start3A = tpu.memref_slice %arg6[%add3A_16] : memref<10240xf32, #tpu.memory_space<vmem_shared>> -> memref<128xf32, #tpu.memory_space<vmem_shared>>
      %dma_start3A_35 = tpu.memref_slice %arg6[%add3A_16] : memref<10240xf32, #tpu.memory_space<vmem_shared>> -> memref<128xf32, #tpu.memory_space<vmem_shared>>
      tpu.enqueue_dma source(%arg5 : memref<128xf32, #tpu.memory_space<vmem>>) target(%dma_start3A_35 : memref<128xf32, #tpu.memory_space<vmem_shared>>) target_semaphore(%run_scoped3A : memref<!tpu.dma_semaphore, #tpu.memory_space<semaphore_mem>>)
      %dma_wait3A = tpu.memref_slice %arg6[%add3A_16] : memref<10240xf32, #tpu.memory_space<vmem_shared>> -> memref<128xf32, #tpu.memory_space<vmem_shared>>
      %dma_wait3A_36 = tpu.memref_slice %arg6[%add3A_16] : memref<10240xf32, #tpu.memory_space<vmem_shared>> -> memref<128xf32, #tpu.memory_space<vmem_shared>>
      tpu.wait_dma2 semaphore(%run_scoped3A : memref<!tpu.dma_semaphore, #tpu.memory_space<semaphore_mem>>) src(%arg5 : memref<128xf32, #tpu.memory_space<vmem>>) dst(%dma_wait3A_36 : memref<128xf32, #tpu.memory_space<vmem_shared>>)
      tpu.yield
    }) : () -> ()
    %add3A_17 = arith.constant 512 : i32
    %add3A_18 = arith.addi %mul3A_8, %add3A_17 : i32
    "tpu.region"() ({
      %run_scoped3A = tpu.sem_alloc : memref<!tpu.dma_semaphore, #tpu.memory_space<semaphore_mem>>
      %dma_start3A = tpu.memref_slice %arg6[%add3A_18] : memref<10240xf32, #tpu.memory_space<vmem_shared>> -> memref<128xf32, #tpu.memory_space<vmem_shared>>
      %dma_start3A_35 = tpu.memref_slice %arg6[%add3A_18] : memref<10240xf32, #tpu.memory_space<vmem_shared>> -> memref<128xf32, #tpu.memory_space<vmem_shared>>
      tpu.enqueue_dma source(%arg5 : memref<128xf32, #tpu.memory_space<vmem>>) target(%dma_start3A_35 : memref<128xf32, #tpu.memory_space<vmem_shared>>) target_semaphore(%run_scoped3A : memref<!tpu.dma_semaphore, #tpu.memory_space<semaphore_mem>>)
      %dma_wait3A = tpu.memref_slice %arg6[%add3A_18] : memref<10240xf32, #tpu.memory_space<vmem_shared>> -> memref<128xf32, #tpu.memory_space<vmem_shared>>
      %dma_wait3A_36 = tpu.memref_slice %arg6[%add3A_18] : memref<10240xf32, #tpu.memory_space<vmem_shared>> -> memref<128xf32, #tpu.memory_space<vmem_shared>>
      tpu.wait_dma2 semaphore(%run_scoped3A : memref<!tpu.dma_semaphore, #tpu.memory_space<semaphore_mem>>) src(%arg5 : memref<128xf32, #tpu.memory_space<vmem>>) dst(%dma_wait3A_36 : memref<128xf32, #tpu.memory_space<vmem_shared>>)
      tpu.yield
    }) : () -> ()
    %scan3A_19 = arith.constant 0 : i32
    %scan3A_20 = arith.constant 8 : i32
    %scan3A_21 = arith.addi %scan3A_19, %scan3A_20 : i32
    %scan3A_22 = arith.constant 1 : i32
    scf.for %scan3A_35 = %scan3A_19 to %scan3A_21 step %scan3A_22  : i32 {
      %mul3A_36 = arith.constant 1 : i32
      %mul3A_37 = arith.muli %scan3A_35, %mul3A_36 : i32
      %add3A_38 = arith.constant 0 : i32
      %add3A_39 = arith.addi %add3A_38, %mul3A_37 : i32
      %broadcast_in_dim3A = arith.constant 1.000000e+00 : f32
      %broadcast_in_dim3A_40 = vector.broadcast %broadcast_in_dim3A : f32 to vector<16xf32>
      %mul3A_41 = arith.constant 16 : i32
      %mul3A_42 = arith.muli %add3A_39, %mul3A_41 : i32
      %swap3A = arith.index_cast %mul3A_42 : i32 to index
      %swap3A_43 = tpu.vector_load %arg5[%swap3A] {strides = array<i32>} : memref<128xf32, #tpu.memory_space<vmem>>, vector<16xf32>,
      %swap3A_44 = vector.shape_cast %swap3A_43 : vector<16xf32> to vector<16xf32>
      %swap3A_45 = vector.shape_cast %broadcast_in_dim3A_40 : vector<16xf32> to vector<16xf32>
      tpu.vector_store %arg5[%swap3A], %swap3A_45 {strides = array<i32>} : memref<128xf32, #tpu.memory_space<vmem>>, vector<16xf32>,
    }
    %scan3A_23 = arith.constant 8 : i32
    %barrier3A = arith.constant 0 : index
    tpu.barrier barrier_id(%barrier3A)
    %scan3A_24 = arith.constant 0 : i32
    %scan3A_25 = arith.constant 80 : i32
    %scan3A_26 = arith.addi %scan3A_24, %scan3A_25 : i32
    %scan3A_27 = arith.constant 1 : i32
    scf.for %scan3A_35 = %scan3A_24 to %scan3A_26 step %scan3A_27  : i32 {
      %mul3A_36 = arith.constant 1 : i32
      %mul3A_37 = arith.muli %scan3A_35, %mul3A_36 : i32
      %add3A_38 = arith.constant 0 : i32
      %add3A_39 = arith.addi %add3A_38, %mul3A_37 : i32
      %dma_start3A = arith.constant 0 : i32
      %dma_start3A_40 = tpu.memref_slice %arg4[%add3A_39, %dma_start3A] : memref<80x128xi32, #tpu.memory_space<vmem>> -> memref<1x128xi32, #tpu.memory_space<vmem>>
      %dma_start3A_41 = tpu.memref_squeeze %dma_start3A_40 : memref<1x128xi32, #tpu.memory_space<vmem>> -> memref<128xi32, #tpu.memory_space<vmem>>
      %dma_start3A_42 = arith.constant 0 : i32
      %dma_start3A_43 = tpu.memref_slice %arg6[%dma_start3A_42] : memref<10240xf32, #tpu.memory_space<vmem_shared>> -> memref<10240xf32, #tpu.memory_space<vmem_shared>>
      tpu.enqueue_indirect_dma source(%arg5 : memref<128xf32, #tpu.memory_space<vmem>>) target(%dma_start3A_43 : memref<10240xf32, #tpu.memory_space<vmem_shared>>) offsets(%dma_start3A_41 : memref<128xi32, #tpu.memory_space<vmem>>) semaphore(%arg7 : memref<!tpu.dma_semaphore, #tpu.memory_space<semaphore_mem>>) {add = true}
    }
    %scan3A_28 = arith.constant 80 : i32
    %scan3A_29 = arith.constant 0 : i32
    %scan3A_30 = arith.constant 80 : i32
    %scan3A_31 = arith.addi %scan3A_29, %scan3A_30 : i32
    %scan3A_32 = arith.constant 1 : i32
    scf.for %scan3A_35 = %scan3A_29 to %scan3A_31 step %scan3A_32  : i32 {
      %mul3A_36 = arith.constant 1 : i32
      %mul3A_37 = arith.muli %scan3A_35, %mul3A_36 : i32
      %add3A_38 = arith.constant 0 : i32
      %add3A_39 = arith.addi %add3A_38, %mul3A_37 : i32
      %dma_wait3A = arith.constant 0 : i32
      %dma_wait3A_40 = arith.constant 0 : i32
      %dma_wait3A_41 = tpu.memref_slice %arg4[%dma_wait3A, %dma_wait3A_40] : memref<80x128xi32, #tpu.memory_space<vmem>> -> memref<1x128xi32, #tpu.memory_space<vmem>>
      %dma_wait3A_42 = tpu.memref_squeeze %dma_wait3A_41 : memref<1x128xi32, #tpu.memory_space<vmem>> -> memref<128xi32, #tpu.memory_space<vmem>>
      %dma_wait3A_43 = arith.constant 0 : i32
      %dma_wait3A_44 = tpu.memref_slice %arg6[%dma_wait3A_43] : memref<10240xf32, #tpu.memory_space<vmem_shared>> -> memref<10240xf32, #tpu.memory_space<vmem_shared>>
      tpu.wait_indirect_dma semaphore(%arg7 : memref<!tpu.dma_semaphore, #tpu.memory_space<semaphore_mem>>) src(%arg5 : memref<128xf32, #tpu.memory_space<vmem>>) dst(%dma_wait3A_44 : memref<10240xf32, #tpu.memory_space<vmem_shared>>)
    }
    %scan3A_33 = arith.constant 80 : i32
    %barrier3A_34 = arith.constant 0 : index
    tpu.barrier barrier_id(%barrier3A_34)
    "tpu.region"() ({
      %run_scoped3A = tpu.sem_alloc : memref<!tpu.dma_semaphore, #tpu.memory_space<semaphore_mem>>
      %dma_start3A = arith.constant 0 : i32
      %dma_start3A_35 = tpu.memref_slice %arg3[%arg0, %dma_start3A] : memref<2x10240xf32, #tpu.memory_space<hbm>> -> memref<1x10240xf32, #tpu.memory_space<hbm>>
      %dma_start3A_36 = tpu.memref_squeeze %dma_start3A_35 : memref<1x10240xf32, #tpu.memory_space<hbm>> -> memref<10240xf32, #tpu.memory_space<hbm>>
      %dma_start3A_37 = tpu.memref_slice %dma_start3A_36[%mul3A_8] : memref<10240xf32, #tpu.memory_space<hbm>> -> memref<640xf32, #tpu.memory_space<hbm>>
      %dma_start3A_38 = tpu.memref_slice %arg6[%mul3A_8] : memref<10240xf32, #tpu.memory_space<vmem_shared>> -> memref<640xf32, #tpu.memory_space<vmem_shared>>
      tpu.enqueue_dma source(%dma_start3A_38 : memref<640xf32, #tpu.memory_space<vmem_shared>>) target(%dma_start3A_37 : memref<640xf32, #tpu.memory_space<hbm>>) target_semaphore(%run_scoped3A : memref<!tpu.dma_semaphore, #tpu.memory_space<semaphore_mem>>)
      %dma_wait3A = arith.constant 0 : i32
      %dma_wait3A_39 = tpu.memref_slice %arg3[%arg0, %dma_wait3A] : memref<2x10240xf32, #tpu.memory_space<hbm>> -> memref<1x10240xf32, #tpu.memory_space<hbm>>
      %dma_wait3A_40 = tpu.memref_squeeze %dma_wait3A_39 : memref<1x10240xf32, #tpu.memory_space<hbm>> -> memref<10240xf32, #tpu.memory_space<hbm>>
      %dma_wait3A_41 = tpu.memref_slice %dma_wait3A_40[%mul3A_8] : memref<10240xf32, #tpu.memory_space<hbm>> -> memref<640xf32, #tpu.memory_space<hbm>>
      %dma_wait3A_42 = tpu.memref_slice %arg6[%mul3A_8] : memref<10240xf32, #tpu.memory_space<vmem_shared>> -> memref<640xf32, #tpu.memory_space<vmem_shared>>
      tpu.wait_dma2 semaphore(%run_scoped3A : memref<!tpu.dma_semaphore, #tpu.memory_space<semaphore_mem>>) src(%dma_wait3A_42 : memref<640xf32, #tpu.memory_space<vmem_shared>>) dst(%dma_wait3A_41 : memref<640xf32, #tpu.memory_space<hbm>>)
      tpu.yield
    }) : () -> ()
    return
  }
}

#map = affine_map<(d0, d1) -> (0)>
#map1 = affine_map<(d0, d1) -> (0, 0)>
#map2 = affine_map<(d0, d1) -> (0, 0, 0)>
module attributes {stable_mosaic.version = 14 : i64} {
  func.func @_agg_call(%arg0: i32, %arg1: i32, %arg2: memref<320000xi32, #tpu.memory_space<hbm>>, %arg3: memref<320000xi32, #tpu.memory_space<hbm>>, %arg4: memref<10000x128xf32, #tpu.memory_space<hbm>>, %arg5: memref<2x10240x128xf32, #tpu.memory_space<hbm>>, %arg6: memref<128xi32, #tpu.memory_space<vmem>>, %arg7: memref<128xi32, #tpu.memory_space<vmem>>, %arg8: memref<16xi32, #tpu.memory_space<vmem>>, %arg9: memref<16xi32, #tpu.memory_space<vmem>>, %arg10: memref<128x128xf32, #tpu.memory_space<vmem>>, %arg11: memref<10240x128xf32, #tpu.memory_space<vmem_shared>>, %arg12: memref<!tpu.dma_semaphore, #tpu.memory_space<semaphore_mem>>) attributes {dimension_semantics = [#tpu.dimension_semantics<core_parallel>, #tpu.dimension_semantics<subcore_parallel>], iteration_bounds = array<i64: 2, 16>, scalar_prefetch = 0 : i64, scratch_operands = 7 : i64, tpu.core_type = #tpu.core_type<sc_vector_subcore>, window_params = [{transform_indices = #map}, {transform_indices = #map}, {transform_indices = #map1}, {transform_indices = #map2}]} {
    %mul3A = arith.constant 16 : i32
    %mul3A_0 = arith.muli %arg0, %mul3A : i32
    %add3A = arith.addi %mul3A_0, %arg1 : i32
    %mul3A_1 = arith.constant 10000 : i32
    %mul3A_2 = arith.muli %add3A, %mul3A_1 : i32
    %scan3A = arith.constant 0 : i32
    %scan3A_3 = arith.constant 128 : i32
    %scan3A_4 = arith.addi %scan3A, %scan3A_3 : i32
    %scan3A_5 = arith.constant 1 : i32
    scf.for %scan3A_37 = %scan3A to %scan3A_4 step %scan3A_5  : i32 {
      %mul3A_38 = arith.constant 1 : i32
      %mul3A_39 = arith.muli %scan3A_37, %mul3A_38 : i32
      %add3A_40 = arith.constant 0 : i32
      %add3A_41 = arith.addi %add3A_40, %mul3A_39 : i32
      %broadcast_in_dim3A = arith.constant 0.000000e+00 : f32
      %broadcast_in_dim3A_42 = vector.broadcast %broadcast_in_dim3A : f32 to vector<16xf32>
      %swap3A = arith.index_cast %add3A_41 : i32 to index
      %swap3A_43 = arith.constant 0 : index
      %swap3A_44 = tpu.vector_load %arg10[%swap3A, %swap3A_43] {strides = array<i32>} : memref<128x128xf32, #tpu.memory_space<vmem>>, vector<1x16xf32>,
      %swap3A_45 = vector.shape_cast %swap3A_44 : vector<1x16xf32> to vector<16xf32>
      %swap3A_46 = vector.shape_cast %broadcast_in_dim3A_42 : vector<16xf32> to vector<1x16xf32>
      tpu.vector_store %arg10[%swap3A, %swap3A_43], %swap3A_46 {strides = array<i32>} : memref<128x128xf32, #tpu.memory_space<vmem>>, vector<1x16xf32>,
      %broadcast_in_dim3A_47 = arith.constant 0.000000e+00 : f32
      %broadcast_in_dim3A_48 = vector.broadcast %broadcast_in_dim3A_47 : f32 to vector<16xf32>
      %swap3A_49 = arith.index_cast %add3A_41 : i32 to index
      %swap3A_50 = arith.constant 16 : index
      %swap3A_51 = tpu.vector_load %arg10[%swap3A_49, %swap3A_50] {strides = array<i32>} : memref<128x128xf32, #tpu.memory_space<vmem>>, vector<1x16xf32>,
      %swap3A_52 = vector.shape_cast %swap3A_51 : vector<1x16xf32> to vector<16xf32>
      %swap3A_53 = vector.shape_cast %broadcast_in_dim3A_48 : vector<16xf32> to vector<1x16xf32>
      tpu.vector_store %arg10[%swap3A_49, %swap3A_50], %swap3A_53 {strides = array<i32>} : memref<128x128xf32, #tpu.memory_space<vmem>>, vector<1x16xf32>,
      %broadcast_in_dim3A_54 = arith.constant 0.000000e+00 : f32
      %broadcast_in_dim3A_55 = vector.broadcast %broadcast_in_dim3A_54 : f32 to vector<16xf32>
      %swap3A_56 = arith.index_cast %add3A_41 : i32 to index
      %swap3A_57 = arith.constant 32 : index
      %swap3A_58 = tpu.vector_load %arg10[%swap3A_56, %swap3A_57] {strides = array<i32>} : memref<128x128xf32, #tpu.memory_space<vmem>>, vector<1x16xf32>,
      %swap3A_59 = vector.shape_cast %swap3A_58 : vector<1x16xf32> to vector<16xf32>
      %swap3A_60 = vector.shape_cast %broadcast_in_dim3A_55 : vector<16xf32> to vector<1x16xf32>
      tpu.vector_store %arg10[%swap3A_56, %swap3A_57], %swap3A_60 {strides = array<i32>} : memref<128x128xf32, #tpu.memory_space<vmem>>, vector<1x16xf32>,
      %broadcast_in_dim3A_61 = arith.constant 0.000000e+00 : f32
      %broadcast_in_dim3A_62 = vector.broadcast %broadcast_in_dim3A_61 : f32 to vector<16xf32>
      %swap3A_63 = arith.index_cast %add3A_41 : i32 to index
      %swap3A_64 = arith.constant 48 : index
      %swap3A_65 = tpu.vector_load %arg10[%swap3A_63, %swap3A_64] {strides = array<i32>} : memref<128x128xf32, #tpu.memory_space<vmem>>, vector<1x16xf32>,
      %swap3A_66 = vector.shape_cast %swap3A_65 : vector<1x16xf32> to vector<16xf32>
      %swap3A_67 = vector.shape_cast %broadcast_in_dim3A_62 : vector<16xf32> to vector<1x16xf32>
      tpu.vector_store %arg10[%swap3A_63, %swap3A_64], %swap3A_67 {strides = array<i32>} : memref<128x128xf32, #tpu.memory_space<vmem>>, vector<1x16xf32>,
      %broadcast_in_dim3A_68 = arith.constant 0.000000e+00 : f32
      %broadcast_in_dim3A_69 = vector.broadcast %broadcast_in_dim3A_68 : f32 to vector<16xf32>
      %swap3A_70 = arith.index_cast %add3A_41 : i32 to index
      %swap3A_71 = arith.constant 64 : index
      %swap3A_72 = tpu.vector_load %arg10[%swap3A_70, %swap3A_71] {strides = array<i32>} : memref<128x128xf32, #tpu.memory_space<vmem>>, vector<1x16xf32>,
      %swap3A_73 = vector.shape_cast %swap3A_72 : vector<1x16xf32> to vector<16xf32>
      %swap3A_74 = vector.shape_cast %broadcast_in_dim3A_69 : vector<16xf32> to vector<1x16xf32>
      tpu.vector_store %arg10[%swap3A_70, %swap3A_71], %swap3A_74 {strides = array<i32>} : memref<128x128xf32, #tpu.memory_space<vmem>>, vector<1x16xf32>,
      %broadcast_in_dim3A_75 = arith.constant 0.000000e+00 : f32
      %broadcast_in_dim3A_76 = vector.broadcast %broadcast_in_dim3A_75 : f32 to vector<16xf32>
      %swap3A_77 = arith.index_cast %add3A_41 : i32 to index
      %swap3A_78 = arith.constant 80 : index
      %swap3A_79 = tpu.vector_load %arg10[%swap3A_77, %swap3A_78] {strides = array<i32>} : memref<128x128xf32, #tpu.memory_space<vmem>>, vector<1x16xf32>,
      %swap3A_80 = vector.shape_cast %swap3A_79 : vector<1x16xf32> to vector<16xf32>
      %swap3A_81 = vector.shape_cast %broadcast_in_dim3A_76 : vector<16xf32> to vector<1x16xf32>
      tpu.vector_store %arg10[%swap3A_77, %swap3A_78], %swap3A_81 {strides = array<i32>} : memref<128x128xf32, #tpu.memory_space<vmem>>, vector<1x16xf32>,
      %broadcast_in_dim3A_82 = arith.constant 0.000000e+00 : f32
      %broadcast_in_dim3A_83 = vector.broadcast %broadcast_in_dim3A_82 : f32 to vector<16xf32>
      %swap3A_84 = arith.index_cast %add3A_41 : i32 to index
      %swap3A_85 = arith.constant 96 : index
      %swap3A_86 = tpu.vector_load %arg10[%swap3A_84, %swap3A_85] {strides = array<i32>} : memref<128x128xf32, #tpu.memory_space<vmem>>, vector<1x16xf32>,
      %swap3A_87 = vector.shape_cast %swap3A_86 : vector<1x16xf32> to vector<16xf32>
      %swap3A_88 = vector.shape_cast %broadcast_in_dim3A_83 : vector<16xf32> to vector<1x16xf32>
      tpu.vector_store %arg10[%swap3A_84, %swap3A_85], %swap3A_88 {strides = array<i32>} : memref<128x128xf32, #tpu.memory_space<vmem>>, vector<1x16xf32>,
      %broadcast_in_dim3A_89 = arith.constant 0.000000e+00 : f32
      %broadcast_in_dim3A_90 = vector.broadcast %broadcast_in_dim3A_89 : f32 to vector<16xf32>
      %swap3A_91 = arith.index_cast %add3A_41 : i32 to index
      %swap3A_92 = arith.constant 112 : index
      %swap3A_93 = tpu.vector_load %arg10[%swap3A_91, %swap3A_92] {strides = array<i32>} : memref<128x128xf32, #tpu.memory_space<vmem>>, vector<1x16xf32>,
      %swap3A_94 = vector.shape_cast %swap3A_93 : vector<1x16xf32> to vector<16xf32>
      %swap3A_95 = vector.shape_cast %broadcast_in_dim3A_90 : vector<16xf32> to vector<1x16xf32>
      tpu.vector_store %arg10[%swap3A_91, %swap3A_92], %swap3A_95 {strides = array<i32>} : memref<128x128xf32, #tpu.memory_space<vmem>>, vector<1x16xf32>,
    }
    %scan3A_6 = arith.constant 128 : i32
    %mul3A_7 = arith.constant 640 : i32
    %mul3A_8 = arith.muli %arg1, %mul3A_7 : i32
    %add3A_9 = arith.constant 0 : i32
    %add3A_10 = arith.addi %mul3A_8, %add3A_9 : i32
    "tpu.region"() ({
      %run_scoped3A = tpu.sem_alloc : memref<!tpu.dma_semaphore, #tpu.memory_space<semaphore_mem>>
      %dma_start3A_37 = arith.constant 0 : i32
      %dma_start3A_38 = tpu.memref_slice %arg11[%add3A_10, %dma_start3A_37] : memref<10240x128xf32, #tpu.memory_space<vmem_shared>> -> memref<128x128xf32, #tpu.memory_space<vmem_shared>>
      %dma_start3A_39 = arith.constant 0 : i32
      %dma_start3A_40 = tpu.memref_slice %arg11[%add3A_10, %dma_start3A_39] : memref<10240x128xf32, #tpu.memory_space<vmem_shared>> -> memref<128x128xf32, #tpu.memory_space<vmem_shared>>
      tpu.enqueue_dma source(%arg10 : memref<128x128xf32, #tpu.memory_space<vmem>>) target(%dma_start3A_40 : memref<128x128xf32, #tpu.memory_space<vmem_shared>>) target_semaphore(%run_scoped3A : memref<!tpu.dma_semaphore, #tpu.memory_space<semaphore_mem>>)
      %dma_wait3A_41 = arith.constant 0 : i32
      %dma_wait3A_42 = tpu.memref_slice %arg11[%add3A_10, %dma_wait3A_41] : memref<10240x128xf32, #tpu.memory_space<vmem_shared>> -> memref<128x128xf32, #tpu.memory_space<vmem_shared>>
      %dma_wait3A_43 = arith.constant 0 : i32
      %dma_wait3A_44 = tpu.memref_slice %arg11[%add3A_10, %dma_wait3A_43] : memref<10240x128xf32, #tpu.memory_space<vmem_shared>> -> memref<128x128xf32, #tpu.memory_space<vmem_shared>>
      tpu.wait_dma2 semaphore(%run_scoped3A : memref<!tpu.dma_semaphore, #tpu.memory_space<semaphore_mem>>) src(%arg10 : memref<128x128xf32, #tpu.memory_space<vmem>>) dst(%dma_wait3A_44 : memref<128x128xf32, #tpu.memory_space<vmem_shared>>)
      tpu.yield
    }) : () -> ()
    %add3A_11 = arith.constant 128 : i32
    %add3A_12 = arith.addi %mul3A_8, %add3A_11 : i32
    "tpu.region"() ({
      %run_scoped3A = tpu.sem_alloc : memref<!tpu.dma_semaphore, #tpu.memory_space<semaphore_mem>>
      %dma_start3A_37 = arith.constant 0 : i32
      %dma_start3A_38 = tpu.memref_slice %arg11[%add3A_12, %dma_start3A_37] : memref<10240x128xf32, #tpu.memory_space<vmem_shared>> -> memref<128x128xf32, #tpu.memory_space<vmem_shared>>
      %dma_start3A_39 = arith.constant 0 : i32
      %dma_start3A_40 = tpu.memref_slice %arg11[%add3A_12, %dma_start3A_39] : memref<10240x128xf32, #tpu.memory_space<vmem_shared>> -> memref<128x128xf32, #tpu.memory_space<vmem_shared>>
      tpu.enqueue_dma source(%arg10 : memref<128x128xf32, #tpu.memory_space<vmem>>) target(%dma_start3A_40 : memref<128x128xf32, #tpu.memory_space<vmem_shared>>) target_semaphore(%run_scoped3A : memref<!tpu.dma_semaphore, #tpu.memory_space<semaphore_mem>>)
      %dma_wait3A_41 = arith.constant 0 : i32
      %dma_wait3A_42 = tpu.memref_slice %arg11[%add3A_12, %dma_wait3A_41] : memref<10240x128xf32, #tpu.memory_space<vmem_shared>> -> memref<128x128xf32, #tpu.memory_space<vmem_shared>>
      %dma_wait3A_43 = arith.constant 0 : i32
      %dma_wait3A_44 = tpu.memref_slice %arg11[%add3A_12, %dma_wait3A_43] : memref<10240x128xf32, #tpu.memory_space<vmem_shared>> -> memref<128x128xf32, #tpu.memory_space<vmem_shared>>
      tpu.wait_dma2 semaphore(%run_scoped3A : memref<!tpu.dma_semaphore, #tpu.memory_space<semaphore_mem>>) src(%arg10 : memref<128x128xf32, #tpu.memory_space<vmem>>) dst(%dma_wait3A_44 : memref<128x128xf32, #tpu.memory_space<vmem_shared>>)
      tpu.yield
    }) : () -> ()
    %add3A_13 = arith.constant 256 : i32
    %add3A_14 = arith.addi %mul3A_8, %add3A_13 : i32
    "tpu.region"() ({
      %run_scoped3A = tpu.sem_alloc : memref<!tpu.dma_semaphore, #tpu.memory_space<semaphore_mem>>
      %dma_start3A_37 = arith.constant 0 : i32
      %dma_start3A_38 = tpu.memref_slice %arg11[%add3A_14, %dma_start3A_37] : memref<10240x128xf32, #tpu.memory_space<vmem_shared>> -> memref<128x128xf32, #tpu.memory_space<vmem_shared>>
      %dma_start3A_39 = arith.constant 0 : i32
      %dma_start3A_40 = tpu.memref_slice %arg11[%add3A_14, %dma_start3A_39] : memref<10240x128xf32, #tpu.memory_space<vmem_shared>> -> memref<128x128xf32, #tpu.memory_space<vmem_shared>>
      tpu.enqueue_dma source(%arg10 : memref<128x128xf32, #tpu.memory_space<vmem>>) target(%dma_start3A_40 : memref<128x128xf32, #tpu.memory_space<vmem_shared>>) target_semaphore(%run_scoped3A : memref<!tpu.dma_semaphore, #tpu.memory_space<semaphore_mem>>)
      %dma_wait3A_41 = arith.constant 0 : i32
      %dma_wait3A_42 = tpu.memref_slice %arg11[%add3A_14, %dma_wait3A_41] : memref<10240x128xf32, #tpu.memory_space<vmem_shared>> -> memref<128x128xf32, #tpu.memory_space<vmem_shared>>
      %dma_wait3A_43 = arith.constant 0 : i32
      %dma_wait3A_44 = tpu.memref_slice %arg11[%add3A_14, %dma_wait3A_43] : memref<10240x128xf32, #tpu.memory_space<vmem_shared>> -> memref<128x128xf32, #tpu.memory_space<vmem_shared>>
      tpu.wait_dma2 semaphore(%run_scoped3A : memref<!tpu.dma_semaphore, #tpu.memory_space<semaphore_mem>>) src(%arg10 : memref<128x128xf32, #tpu.memory_space<vmem>>) dst(%dma_wait3A_44 : memref<128x128xf32, #tpu.memory_space<vmem_shared>>)
      tpu.yield
    }) : () -> ()
    %add3A_15 = arith.constant 384 : i32
    %add3A_16 = arith.addi %mul3A_8, %add3A_15 : i32
    "tpu.region"() ({
      %run_scoped3A = tpu.sem_alloc : memref<!tpu.dma_semaphore, #tpu.memory_space<semaphore_mem>>
      %dma_start3A_37 = arith.constant 0 : i32
      %dma_start3A_38 = tpu.memref_slice %arg11[%add3A_16, %dma_start3A_37] : memref<10240x128xf32, #tpu.memory_space<vmem_shared>> -> memref<128x128xf32, #tpu.memory_space<vmem_shared>>
      %dma_start3A_39 = arith.constant 0 : i32
      %dma_start3A_40 = tpu.memref_slice %arg11[%add3A_16, %dma_start3A_39] : memref<10240x128xf32, #tpu.memory_space<vmem_shared>> -> memref<128x128xf32, #tpu.memory_space<vmem_shared>>
      tpu.enqueue_dma source(%arg10 : memref<128x128xf32, #tpu.memory_space<vmem>>) target(%dma_start3A_40 : memref<128x128xf32, #tpu.memory_space<vmem_shared>>) target_semaphore(%run_scoped3A : memref<!tpu.dma_semaphore, #tpu.memory_space<semaphore_mem>>)
      %dma_wait3A_41 = arith.constant 0 : i32
      %dma_wait3A_42 = tpu.memref_slice %arg11[%add3A_16, %dma_wait3A_41] : memref<10240x128xf32, #tpu.memory_space<vmem_shared>> -> memref<128x128xf32, #tpu.memory_space<vmem_shared>>
      %dma_wait3A_43 = arith.constant 0 : i32
      %dma_wait3A_44 = tpu.memref_slice %arg11[%add3A_16, %dma_wait3A_43] : memref<10240x128xf32, #tpu.memory_space<vmem_shared>> -> memref<128x128xf32, #tpu.memory_space<vmem_shared>>
      tpu.wait_dma2 semaphore(%run_scoped3A : memref<!tpu.dma_semaphore, #tpu.memory_space<semaphore_mem>>) src(%arg10 : memref<128x128xf32, #tpu.memory_space<vmem>>) dst(%dma_wait3A_44 : memref<128x128xf32, #tpu.memory_space<vmem_shared>>)
      tpu.yield
    }) : () -> ()
    %add3A_17 = arith.constant 512 : i32
    %add3A_18 = arith.addi %mul3A_8, %add3A_17 : i32
    "tpu.region"() ({
      %run_scoped3A = tpu.sem_alloc : memref<!tpu.dma_semaphore, #tpu.memory_space<semaphore_mem>>
      %dma_start3A_37 = arith.constant 0 : i32
      %dma_start3A_38 = tpu.memref_slice %arg11[%add3A_18, %dma_start3A_37] : memref<10240x128xf32, #tpu.memory_space<vmem_shared>> -> memref<128x128xf32, #tpu.memory_space<vmem_shared>>
      %dma_start3A_39 = arith.constant 0 : i32
      %dma_start3A_40 = tpu.memref_slice %arg11[%add3A_18, %dma_start3A_39] : memref<10240x128xf32, #tpu.memory_space<vmem_shared>> -> memref<128x128xf32, #tpu.memory_space<vmem_shared>>
      tpu.enqueue_dma source(%arg10 : memref<128x128xf32, #tpu.memory_space<vmem>>) target(%dma_start3A_40 : memref<128x128xf32, #tpu.memory_space<vmem_shared>>) target_semaphore(%run_scoped3A : memref<!tpu.dma_semaphore, #tpu.memory_space<semaphore_mem>>)
      %dma_wait3A_41 = arith.constant 0 : i32
      %dma_wait3A_42 = tpu.memref_slice %arg11[%add3A_18, %dma_wait3A_41] : memref<10240x128xf32, #tpu.memory_space<vmem_shared>> -> memref<128x128xf32, #tpu.memory_space<vmem_shared>>
      %dma_wait3A_43 = arith.constant 0 : i32
      %dma_wait3A_44 = tpu.memref_slice %arg11[%add3A_18, %dma_wait3A_43] : memref<10240x128xf32, #tpu.memory_space<vmem_shared>> -> memref<128x128xf32, #tpu.memory_space<vmem_shared>>
      tpu.wait_dma2 semaphore(%run_scoped3A : memref<!tpu.dma_semaphore, #tpu.memory_space<semaphore_mem>>) src(%arg10 : memref<128x128xf32, #tpu.memory_space<vmem>>) dst(%dma_wait3A_44 : memref<128x128xf32, #tpu.memory_space<vmem_shared>>)
      tpu.yield
    }) : () -> ()
    %barrier3A = arith.constant 0 : index
    tpu.barrier barrier_id(%barrier3A)
    %scan3A_19 = arith.constant 0 : i32
    %scan3A_20 = arith.constant 78 : i32
    %scan3A_21 = arith.addi %scan3A_19, %scan3A_20 : i32
    %scan3A_22 = arith.constant 1 : i32
    scf.for %scan3A_37 = %scan3A_19 to %scan3A_21 step %scan3A_22  : i32 {
      %mul3A_38 = arith.constant 1 : i32
      %mul3A_39 = arith.muli %scan3A_37, %mul3A_38 : i32
      %add3A_40 = arith.constant 0 : i32
      %add3A_41 = arith.addi %add3A_40, %mul3A_39 : i32
      %mul3A_42 = arith.constant 128 : i32
      %mul3A_43 = arith.muli %add3A_41, %mul3A_42 : i32
      %add3A_44 = arith.addi %mul3A_2, %mul3A_43 : i32
      "tpu.region"() ({
        %run_scoped3A = tpu.sem_alloc : memref<!tpu.dma_semaphore, #tpu.memory_space<semaphore_mem>>
        %dma_start3A_51 = tpu.memref_slice %arg2[%add3A_44] : memref<320000xi32, #tpu.memory_space<hbm>> -> memref<128xi32, #tpu.memory_space<hbm>>
        %dma_start3A_52 = tpu.memref_slice %arg2[%add3A_44] : memref<320000xi32, #tpu.memory_space<hbm>> -> memref<128xi32, #tpu.memory_space<hbm>>
        tpu.enqueue_dma source(%dma_start3A_52 : memref<128xi32, #tpu.memory_space<hbm>>) target(%arg6 : memref<128xi32, #tpu.memory_space<vmem>>) target_semaphore(%run_scoped3A : memref<!tpu.dma_semaphore, #tpu.memory_space<semaphore_mem>>)
        %dma_wait3A_53 = tpu.memref_slice %arg2[%add3A_44] : memref<320000xi32, #tpu.memory_space<hbm>> -> memref<128xi32, #tpu.memory_space<hbm>>
        %dma_wait3A_54 = tpu.memref_slice %arg2[%add3A_44] : memref<320000xi32, #tpu.memory_space<hbm>> -> memref<128xi32, #tpu.memory_space<hbm>>
        tpu.wait_dma2 semaphore(%run_scoped3A : memref<!tpu.dma_semaphore, #tpu.memory_space<semaphore_mem>>) src(%dma_wait3A_54 : memref<128xi32, #tpu.memory_space<hbm>>) dst(%arg6 : memref<128xi32, #tpu.memory_space<vmem>>)
        tpu.yield
      }) : () -> ()
      "tpu.region"() ({
        %run_scoped3A = tpu.sem_alloc : memref<!tpu.dma_semaphore, #tpu.memory_space<semaphore_mem>>
        %dma_start3A_51 = tpu.memref_slice %arg3[%add3A_44] : memref<320000xi32, #tpu.memory_space<hbm>> -> memref<128xi32, #tpu.memory_space<hbm>>
        %dma_start3A_52 = tpu.memref_slice %arg3[%add3A_44] : memref<320000xi32, #tpu.memory_space<hbm>> -> memref<128xi32, #tpu.memory_space<hbm>>
        tpu.enqueue_dma source(%dma_start3A_52 : memref<128xi32, #tpu.memory_space<hbm>>) target(%arg7 : memref<128xi32, #tpu.memory_space<vmem>>) target_semaphore(%run_scoped3A : memref<!tpu.dma_semaphore, #tpu.memory_space<semaphore_mem>>)
        %dma_wait3A_53 = tpu.memref_slice %arg3[%add3A_44] : memref<320000xi32, #tpu.memory_space<hbm>> -> memref<128xi32, #tpu.memory_space<hbm>>
        %dma_wait3A_54 = tpu.memref_slice %arg3[%add3A_44] : memref<320000xi32, #tpu.memory_space<hbm>> -> memref<128xi32, #tpu.memory_space<hbm>>
        tpu.wait_dma2 semaphore(%run_scoped3A : memref<!tpu.dma_semaphore, #tpu.memory_space<semaphore_mem>>) src(%dma_wait3A_54 : memref<128xi32, #tpu.memory_space<hbm>>) dst(%arg7 : memref<128xi32, #tpu.memory_space<vmem>>)
        tpu.yield
      }) : () -> ()
      %dma_start3A_45 = arith.constant 0 : i32
      %dma_start3A_46 = arith.constant 0 : i32
      %dma_start3A_47 = tpu.memref_slice %arg4[%dma_start3A_45, %dma_start3A_46] : memref<10000x128xf32, #tpu.memory_space<hbm>> -> memref<10000x128xf32, #tpu.memory_space<hbm>>
      tpu.enqueue_indirect_dma source(%dma_start3A_47 : memref<10000x128xf32, #tpu.memory_space<hbm>>) target(%arg10 : memref<128x128xf32, #tpu.memory_space<vmem>>) offsets(%arg6 : memref<128xi32, #tpu.memory_space<vmem>>) semaphore(%arg12 : memref<!tpu.dma_semaphore, #tpu.memory_space<semaphore_mem>>)
      %dma_wait3A_48 = arith.constant 0 : i32
      %dma_wait3A_49 = arith.constant 0 : i32
      %dma_wait3A_50 = tpu.memref_slice %arg4[%dma_wait3A_48, %dma_wait3A_49] : memref<10000x128xf32, #tpu.memory_space<hbm>> -> memref<10000x128xf32, #tpu.memory_space<hbm>>
      tpu.wait_indirect_dma semaphore(%arg12 : memref<!tpu.dma_semaphore, #tpu.memory_space<semaphore_mem>>) src(%dma_wait3A_50 : memref<10000x128xf32, #tpu.memory_space<hbm>>) dst(%arg10 : memref<128x128xf32, #tpu.memory_space<vmem>>)
      "tpu.region"() ({
        %run_scoped3A = tpu.sem_alloc : memref<!tpu.dma_semaphore, #tpu.memory_space<semaphore_mem>>
        %dma_start3A_51 = arith.constant 0 : i32
        %dma_start3A_52 = arith.constant 0 : i32
        %dma_start3A_53 = tpu.memref_slice %arg11[%dma_start3A_51, %dma_start3A_52] : memref<10240x128xf32, #tpu.memory_space<vmem_shared>> -> memref<10240x128xf32, #tpu.memory_space<vmem_shared>>
        tpu.enqueue_indirect_dma source(%arg10 : memref<128x128xf32, #tpu.memory_space<vmem>>) target(%dma_start3A_53 : memref<10240x128xf32, #tpu.memory_space<vmem_shared>>) offsets(%arg7 : memref<128xi32, #tpu.memory_space<vmem>>) semaphore(%run_scoped3A : memref<!tpu.dma_semaphore, #tpu.memory_space<semaphore_mem>>) {add = true}
        %dma_wait3A_54 = arith.constant 0 : i32
        %dma_wait3A_55 = arith.constant 0 : i32
        %dma_wait3A_56 = tpu.memref_slice %arg11[%dma_wait3A_54, %dma_wait3A_55] : memref<10240x128xf32, #tpu.memory_space<vmem_shared>> -> memref<10240x128xf32, #tpu.memory_space<vmem_shared>>
        tpu.wait_indirect_dma semaphore(%run_scoped3A : memref<!tpu.dma_semaphore, #tpu.memory_space<semaphore_mem>>) src(%arg10 : memref<128x128xf32, #tpu.memory_space<vmem>>) dst(%dma_wait3A_56 : memref<10240x128xf32, #tpu.memory_space<vmem_shared>>)
        tpu.yield
      }) : () -> ()
    }
    %scan3A_23 = arith.constant 78 : i32
    %add3A_24 = arith.constant 9984 : i32
    %add3A_25 = arith.addi %mul3A_2, %add3A_24 : i32
    "tpu.region"() ({
      %run_scoped3A = tpu.sem_alloc : memref<!tpu.dma_semaphore, #tpu.memory_space<semaphore_mem>>
      %dma_start3A_37 = tpu.memref_slice %arg2[%add3A_25] : memref<320000xi32, #tpu.memory_space<hbm>> -> memref<16xi32, #tpu.memory_space<hbm>>
      %dma_start3A_38 = tpu.memref_slice %arg2[%add3A_25] : memref<320000xi32, #tpu.memory_space<hbm>> -> memref<16xi32, #tpu.memory_space<hbm>>
      tpu.enqueue_dma source(%dma_start3A_38 : memref<16xi32, #tpu.memory_space<hbm>>) target(%arg8 : memref<16xi32, #tpu.memory_space<vmem>>) target_semaphore(%run_scoped3A : memref<!tpu.dma_semaphore, #tpu.memory_space<semaphore_mem>>)
      %dma_wait3A_39 = tpu.memref_slice %arg2[%add3A_25] : memref<320000xi32, #tpu.memory_space<hbm>> -> memref<16xi32, #tpu.memory_space<hbm>>
      %dma_wait3A_40 = tpu.memref_slice %arg2[%add3A_25] : memref<320000xi32, #tpu.memory_space<hbm>> -> memref<16xi32, #tpu.memory_space<hbm>>
      tpu.wait_dma2 semaphore(%run_scoped3A : memref<!tpu.dma_semaphore, #tpu.memory_space<semaphore_mem>>) src(%dma_wait3A_40 : memref<16xi32, #tpu.memory_space<hbm>>) dst(%arg8 : memref<16xi32, #tpu.memory_space<vmem>>)
      tpu.yield
    }) : () -> ()
    "tpu.region"() ({
      %run_scoped3A = tpu.sem_alloc : memref<!tpu.dma_semaphore, #tpu.memory_space<semaphore_mem>>
      %dma_start3A_37 = tpu.memref_slice %arg3[%add3A_25] : memref<320000xi32, #tpu.memory_space<hbm>> -> memref<16xi32, #tpu.memory_space<hbm>>
      %dma_start3A_38 = tpu.memref_slice %arg3[%add3A_25] : memref<320000xi32, #tpu.memory_space<hbm>> -> memref<16xi32, #tpu.memory_space<hbm>>
      tpu.enqueue_dma source(%dma_start3A_38 : memref<16xi32, #tpu.memory_space<hbm>>) target(%arg9 : memref<16xi32, #tpu.memory_space<vmem>>) target_semaphore(%run_scoped3A : memref<!tpu.dma_semaphore, #tpu.memory_space<semaphore_mem>>)
      %dma_wait3A_39 = tpu.memref_slice %arg3[%add3A_25] : memref<320000xi32, #tpu.memory_space<hbm>> -> memref<16xi32, #tpu.memory_space<hbm>>
      %dma_wait3A_40 = tpu.memref_slice %arg3[%add3A_25] : memref<320000xi32, #tpu.memory_space<hbm>> -> memref<16xi32, #tpu.memory_space<hbm>>
      tpu.wait_dma2 semaphore(%run_scoped3A : memref<!tpu.dma_semaphore, #tpu.memory_space<semaphore_mem>>) src(%dma_wait3A_40 : memref<16xi32, #tpu.memory_space<hbm>>) dst(%arg9 : memref<16xi32, #tpu.memory_space<vmem>>)
      tpu.yield
    }) : () -> ()
    %dma_start3A = arith.constant 0 : i32
    %dma_start3A_26 = arith.constant 0 : i32
    %dma_start3A_27 = tpu.memref_slice %arg10[%dma_start3A, %dma_start3A_26] : memref<128x128xf32, #tpu.memory_space<vmem>> -> memref<16x128xf32, #tpu.memory_space<vmem>>
    %dma_start3A_28 = arith.constant 0 : i32
    %dma_start3A_29 = arith.constant 0 : i32
    %dma_start3A_30 = tpu.memref_slice %arg4[%dma_start3A_28, %dma_start3A_29] : memref<10000x128xf32, #tpu.memory_space<hbm>> -> memref<10000x128xf32, #tpu.memory_space<hbm>>
    tpu.enqueue_indirect_dma source(%dma_start3A_30 : memref<10000x128xf32, #tpu.memory_space<hbm>>) target(%dma_start3A_27 : memref<16x128xf32, #tpu.memory_space<vmem>>) offsets(%arg8 : memref<16xi32, #tpu.memory_space<vmem>>) semaphore(%arg12 : memref<!tpu.dma_semaphore, #tpu.memory_space<semaphore_mem>>)
    %dma_wait3A = arith.constant 0 : i32
    %dma_wait3A_31 = arith.constant 0 : i32
    %dma_wait3A_32 = tpu.memref_slice %arg10[%dma_wait3A, %dma_wait3A_31] : memref<128x128xf32, #tpu.memory_space<vmem>> -> memref<16x128xf32, #tpu.memory_space<vmem>>
    %dma_wait3A_33 = arith.constant 0 : i32
    %dma_wait3A_34 = arith.constant 0 : i32
    %dma_wait3A_35 = tpu.memref_slice %arg4[%dma_wait3A_33, %dma_wait3A_34] : memref<10000x128xf32, #tpu.memory_space<hbm>> -> memref<10000x128xf32, #tpu.memory_space<hbm>>
    tpu.wait_indirect_dma semaphore(%arg12 : memref<!tpu.dma_semaphore, #tpu.memory_space<semaphore_mem>>) src(%dma_wait3A_35 : memref<10000x128xf32, #tpu.memory_space<hbm>>) dst(%dma_wait3A_32 : memref<16x128xf32, #tpu.memory_space<vmem>>)
    "tpu.region"() ({
      %run_scoped3A = tpu.sem_alloc : memref<!tpu.dma_semaphore, #tpu.memory_space<semaphore_mem>>
      %dma_start3A_37 = arith.constant 0 : i32
      %dma_start3A_38 = arith.constant 0 : i32
      %dma_start3A_39 = tpu.memref_slice %arg10[%dma_start3A_37, %dma_start3A_38] : memref<128x128xf32, #tpu.memory_space<vmem>> -> memref<16x128xf32, #tpu.memory_space<vmem>>
      %dma_start3A_40 = arith.constant 0 : i32
      %dma_start3A_41 = arith.constant 0 : i32
      %dma_start3A_42 = tpu.memref_slice %arg11[%dma_start3A_40, %dma_start3A_41] : memref<10240x128xf32, #tpu.memory_space<vmem_shared>> -> memref<10240x128xf32, #tpu.memory_space<vmem_shared>>
      tpu.enqueue_indirect_dma source(%dma_start3A_39 : memref<16x128xf32, #tpu.memory_space<vmem>>) target(%dma_start3A_42 : memref<10240x128xf32, #tpu.memory_space<vmem_shared>>) offsets(%arg9 : memref<16xi32, #tpu.memory_space<vmem>>) semaphore(%run_scoped3A : memref<!tpu.dma_semaphore, #tpu.memory_space<semaphore_mem>>) {add = true}
      %dma_wait3A_43 = arith.constant 0 : i32
      %dma_wait3A_44 = arith.constant 0 : i32
      %dma_wait3A_45 = tpu.memref_slice %arg10[%dma_wait3A_43, %dma_wait3A_44] : memref<128x128xf32, #tpu.memory_space<vmem>> -> memref<16x128xf32, #tpu.memory_space<vmem>>
      %dma_wait3A_46 = arith.constant 0 : i32
      %dma_wait3A_47 = arith.constant 0 : i32
      %dma_wait3A_48 = tpu.memref_slice %arg11[%dma_wait3A_46, %dma_wait3A_47] : memref<10240x128xf32, #tpu.memory_space<vmem_shared>> -> memref<10240x128xf32, #tpu.memory_space<vmem_shared>>
      tpu.wait_indirect_dma semaphore(%run_scoped3A : memref<!tpu.dma_semaphore, #tpu.memory_space<semaphore_mem>>) src(%dma_wait3A_45 : memref<16x128xf32, #tpu.memory_space<vmem>>) dst(%dma_wait3A_48 : memref<10240x128xf32, #tpu.memory_space<vmem_shared>>)
      tpu.yield
    }) : () -> ()
    %barrier3A_36 = arith.constant 0 : index
    tpu.barrier barrier_id(%barrier3A_36)
    "tpu.region"() ({
      %run_scoped3A = tpu.sem_alloc : memref<!tpu.dma_semaphore, #tpu.memory_space<semaphore_mem>>
      %dma_start3A_37 = arith.constant 0 : i32
      %dma_start3A_38 = arith.constant 0 : i32
      %dma_start3A_39 = tpu.memref_slice %arg5[%arg0, %dma_start3A_37, %dma_start3A_38] : memref<2x10240x128xf32, #tpu.memory_space<hbm>> -> memref<1x10240x128xf32, #tpu.memory_space<hbm>>
      %dma_start3A_40 = tpu.memref_squeeze %dma_start3A_39 : memref<1x10240x128xf32, #tpu.memory_space<hbm>> -> memref<10240x128xf32, #tpu.memory_space<hbm>>
      %dma_start3A_41 = arith.constant 0 : i32
      %dma_start3A_42 = tpu.memref_slice %dma_start3A_40[%mul3A_8, %dma_start3A_41] : memref<10240x128xf32, #tpu.memory_space<hbm>> -> memref<640x128xf32, #tpu.memory_space<hbm>>
      %dma_start3A_43 = arith.constant 0 : i32
      %dma_start3A_44 = tpu.memref_slice %arg11[%mul3A_8, %dma_start3A_43] : memref<10240x128xf32, #tpu.memory_space<vmem_shared>> -> memref<640x128xf32, #tpu.memory_space<vmem_shared>>
      tpu.enqueue_dma source(%dma_start3A_44 : memref<640x128xf32, #tpu.memory_space<vmem_shared>>) target(%dma_start3A_42 : memref<640x128xf32, #tpu.memory_space<hbm>>) target_semaphore(%run_scoped3A : memref<!tpu.dma_semaphore, #tpu.memory_space<semaphore_mem>>)
      %dma_wait3A_45 = arith.constant 0 : i32
      %dma_wait3A_46 = arith.constant 0 : i32
      %dma_wait3A_47 = tpu.memref_slice %arg5[%arg0, %dma_wait3A_45, %dma_wait3A_46] : memref<2x10240x128xf32, #tpu.memory_space<hbm>> -> memref<1x10240x128xf32, #tpu.memory_space<hbm>>
      %dma_wait3A_48 = tpu.memref_squeeze %dma_wait3A_47 : memref<1x10240x128xf32, #tpu.memory_space<hbm>> -> memref<10240x128xf32, #tpu.memory_space<hbm>>
      %dma_wait3A_49 = arith.constant 0 : i32
      %dma_wait3A_50 = tpu.memref_slice %dma_wait3A_48[%mul3A_8, %dma_wait3A_49] : memref<10240x128xf32, #tpu.memory_space<hbm>> -> memref<640x128xf32, #tpu.memory_space<hbm>>
      %dma_wait3A_51 = arith.constant 0 : i32
      %dma_wait3A_52 = tpu.memref_slice %arg11[%mul3A_8, %dma_wait3A_51] : memref<10240x128xf32, #tpu.memory_space<vmem_shared>> -> memref<640x128xf32, #tpu.memory_space<vmem_shared>>
      tpu.wait_dma2 semaphore(%run_scoped3A : memref<!tpu.dma_semaphore, #tpu.memory_space<semaphore_mem>>) src(%dma_wait3A_52 : memref<640x128xf32, #tpu.memory_space<vmem_shared>>) dst(%dma_wait3A_50 : memref<640x128xf32, #tpu.memory_space<hbm>>)
      tpu.yield
    }) : () -> ()
    return
  }
}

module attributes {stable_mosaic.version = 14 : i64} {
  func.func @_k1_body(%arg0: memref<10000x128xf32, #tpu.memory_space<vmem>>, %arg1: memref<128x128xf32, #tpu.memory_space<vmem>>, %arg2: memref<2x10000x1xf32, #tpu.memory_space<vmem>>, %arg3: memref<10000x128xf32, #tpu.memory_space<vmem>>, %arg4: memref<10000x1xf32, #tpu.memory_space<vmem>>) attributes {dimension_semantics = [], scalar_prefetch = 0 : i64, scratch_operands = 0 : i64, tpu.core_type = #tpu.core_type<tc>} {
    %get3A = arith.constant 0 : index
    %get3A_0 = arith.constant 0 : index
    %get3A_1 = arith.constant 0 : index
    %get3A_2 = vector.load %arg2[%get3A, %get3A_0, %get3A_1] : memref<2x10000x1xf32, #tpu.memory_space<vmem>>, vector<1x10000x1xf32>
    %get3A_3 = vector.shape_cast %get3A_2 : vector<1x10000x1xf32> to vector<10000x1xf32>
    %get3A_4 = arith.constant 1 : index
    %get3A_5 = arith.constant 0 : index
    %get3A_6 = arith.constant 0 : index
    %get3A_7 = vector.load %arg2[%get3A_4, %get3A_5, %get3A_6] : memref<2x10000x1xf32, #tpu.memory_space<vmem>>, vector<1x10000x1xf32>
    %get3A_8 = vector.shape_cast %get3A_7 : vector<1x10000x1xf32> to vector<10000x1xf32>
    %add3A = arith.addf %get3A_3, %get3A_8 : vector<10000x1xf32>
    %add3A_9 = arith.constant 1.000000e+00 : f32
    %add3A_10 = vector.broadcast %add3A_9 : f32 to vector<10000x1xf32>
    %add3A_11 = arith.addf %add3A, %add3A_10 : vector<10000x1xf32>
    %rsqrt3A = math.rsqrt %add3A_11 : vector<10000x1xf32>
    %swap3A = arith.constant 0 : index
    %swap3A_12 = arith.constant 0 : index
    %swap3A_13 = vector.load %arg4[%swap3A, %swap3A_12] : memref<10000x1xf32, #tpu.memory_space<vmem>>, vector<10000x1xf32>
    tpu.vector_store %arg4[%swap3A, %swap3A_12], %rsqrt3A {strides = array<i32>} : memref<10000x1xf32, #tpu.memory_space<vmem>>, vector<10000x1xf32>,
    %get3A_14 = arith.constant 0 : index
    %get3A_15 = arith.constant 0 : index
    %get3A_16 = vector.load %arg0[%get3A_14, %get3A_15] : memref<10000x128xf32, #tpu.memory_space<vmem>>, vector<10000x128xf32>
    %get3A_17 = arith.constant 0 : index
    %get3A_18 = arith.constant 0 : index
    %get3A_19 = vector.load %arg1[%get3A_17, %get3A_18] : memref<128x128xf32, #tpu.memory_space<vmem>>, vector<128x128xf32>
    %dot_general3A = arith.constant dense<0.000000e+00> : vector<10000x128xf32>
    %dot_general3A_20 = tpu.matmul %get3A_16, %get3A_19, %dot_general3A {dimension_numbers = #tpu.dot_dimension_numbers<[1], [0], [0], [1], [0, 0, 1, 1], [], []>, transpose_lhs_hint = false} : vector<10000x128xf32>, vector<128x128xf32>, vector<10000x128xf32> -> vector<10000x128xf32>
    %mul3A = vector.broadcast %rsqrt3A : vector<10000x1xf32> to vector<10000x128xf32>
    %mul3A_21 = arith.mulf %dot_general3A_20, %mul3A : vector<10000x128xf32>
    %swap3A_22 = arith.constant 0 : index
    %swap3A_23 = arith.constant 0 : index
    %swap3A_24 = vector.load %arg3[%swap3A_22, %swap3A_23] : memref<10000x128xf32, #tpu.memory_space<vmem>>, vector<10000x128xf32>
    tpu.vector_store %arg3[%swap3A_22, %swap3A_23], %mul3A_21 {strides = array<i32>} : memref<10000x128xf32, #tpu.memory_space<vmem>>, vector<10000x128xf32>,
    return
  }
}

module attributes {stable_mosaic.version = 14 : i64} {
  func.func @_k2_body(%arg0: memref<2x10240x128xf32, #tpu.memory_space<vmem>>, %arg1: memref<10000x128xf32, #tpu.memory_space<vmem>>, %arg2: memref<10000x1xf32, #tpu.memory_space<vmem>>, %arg3: memref<1x128xf32, #tpu.memory_space<vmem>>, %arg4: memref<128x128xf32, #tpu.memory_space<vmem>>, %arg5: memref<10000x128xf32, #tpu.memory_space<vmem>>) attributes {dimension_semantics = [], scalar_prefetch = 0 : i64, scratch_operands = 0 : i64, tpu.core_type = #tpu.core_type<tc>} {
    %get3A = arith.constant 0 : index
    %get3A_0 = arith.constant 0 : index
    %get3A_1 = vector.load %arg2[%get3A, %get3A_0] : memref<10000x1xf32, #tpu.memory_space<vmem>>, vector<10000x1xf32>
    %get3A_2 = arith.constant 0 : index
    %get3A_3 = arith.constant 0 : index
    %get3A_4 = arith.constant 0 : index
    %get3A_5 = vector.load %arg0[%get3A_2, %get3A_3, %get3A_4] : memref<2x10240x128xf32, #tpu.memory_space<vmem>>, vector<1x10000x128xf32>
    %get3A_6 = vector.shape_cast %get3A_5 : vector<1x10000x128xf32> to vector<10000x128xf32>
    %get3A_7 = arith.constant 1 : index
    %get3A_8 = arith.constant 0 : index
    %get3A_9 = arith.constant 0 : index
    %get3A_10 = vector.load %arg0[%get3A_7, %get3A_8, %get3A_9] : memref<2x10240x128xf32, #tpu.memory_space<vmem>>, vector<1x10000x128xf32>
    %get3A_11 = vector.shape_cast %get3A_10 : vector<1x10000x128xf32> to vector<10000x128xf32>
    %add3A = arith.addf %get3A_6, %get3A_11 : vector<10000x128xf32>
    %get3A_12 = arith.constant 0 : index
    %get3A_13 = arith.constant 0 : index
    %get3A_14 = vector.load %arg1[%get3A_12, %get3A_13] : memref<10000x128xf32, #tpu.memory_space<vmem>>, vector<10000x128xf32>
    %add3A_15 = arith.addf %add3A, %get3A_14 : vector<10000x128xf32>
    %mul3A = vector.broadcast %get3A_1 : vector<10000x1xf32> to vector<10000x128xf32>
    %mul3A_16 = arith.mulf %add3A_15, %mul3A : vector<10000x128xf32>
    %get3A_17 = arith.constant 0 : index
    %get3A_18 = arith.constant 0 : index
    %get3A_19 = vector.load %arg3[%get3A_17, %get3A_18] : memref<1x128xf32, #tpu.memory_space<vmem>>, vector<1x128xf32>
    %add3A_20 = vector.broadcast %get3A_19 : vector<1x128xf32> to vector<10000x128xf32>
    %add3A_21 = arith.addf %mul3A_16, %add3A_20 : vector<10000x128xf32>
    %max3A = arith.constant 0.000000e+00 : f32
    %max3A_22 = vector.broadcast %max3A : f32 to vector<10000x128xf32>
    %max3A_23 = arith.maximumf %add3A_21, %max3A_22 : vector<10000x128xf32>
    %get3A_24 = arith.constant 0 : index
    %get3A_25 = arith.constant 0 : index
    %get3A_26 = vector.load %arg4[%get3A_24, %get3A_25] : memref<128x128xf32, #tpu.memory_space<vmem>>, vector<128x128xf32>
    %dot_general3A = arith.constant dense<0.000000e+00> : vector<10000x128xf32>
    %dot_general3A_27 = tpu.matmul %max3A_23, %get3A_26, %dot_general3A {dimension_numbers = #tpu.dot_dimension_numbers<[1], [0], [0], [1], [0, 0, 1, 1], [], []>, transpose_lhs_hint = false} : vector<10000x128xf32>, vector<128x128xf32>, vector<10000x128xf32> -> vector<10000x128xf32>
    %mul3A_28 = vector.broadcast %get3A_1 : vector<10000x1xf32> to vector<10000x128xf32>
    %mul3A_29 = arith.mulf %dot_general3A_27, %mul3A_28 : vector<10000x128xf32>
    %swap3A = arith.constant 0 : index
    %swap3A_30 = arith.constant 0 : index
    %swap3A_31 = vector.load %arg5[%swap3A, %swap3A_30] : memref<10000x128xf32, #tpu.memory_space<vmem>>, vector<10000x128xf32>
    tpu.vector_store %arg5[%swap3A, %swap3A_30], %mul3A_29 {strides = array<i32>} : memref<10000x128xf32, #tpu.memory_space<vmem>>, vector<10000x128xf32>,
    return
  }
}

module attributes {stable_mosaic.version = 14 : i64} {
  func.func @_k3_body(%arg0: memref<2x10240x128xf32, #tpu.memory_space<vmem>>, %arg1: memref<10000x128xf32, #tpu.memory_space<vmem>>, %arg2: memref<10000x1xf32, #tpu.memory_space<vmem>>, %arg3: memref<1x128xf32, #tpu.memory_space<vmem>>, %arg4: memref<10000x128xf32, #tpu.memory_space<vmem>>) attributes {dimension_semantics = [], scalar_prefetch = 0 : i64, scratch_operands = 0 : i64, tpu.core_type = #tpu.core_type<tc>} {
    %get3A = arith.constant 0 : index
    %get3A_0 = arith.constant 0 : index
    %get3A_1 = arith.constant 0 : index
    %get3A_2 = vector.load %arg0[%get3A, %get3A_0, %get3A_1] : memref<2x10240x128xf32, #tpu.memory_space<vmem>>, vector<1x10000x128xf32>
    %get3A_3 = vector.shape_cast %get3A_2 : vector<1x10000x128xf32> to vector<10000x128xf32>
    %get3A_4 = arith.constant 1 : index
    %get3A_5 = arith.constant 0 : index
    %get3A_6 = arith.constant 0 : index
    %get3A_7 = vector.load %arg0[%get3A_4, %get3A_5, %get3A_6] : memref<2x10240x128xf32, #tpu.memory_space<vmem>>, vector<1x10000x128xf32>
    %get3A_8 = vector.shape_cast %get3A_7 : vector<1x10000x128xf32> to vector<10000x128xf32>
    %add3A = arith.addf %get3A_3, %get3A_8 : vector<10000x128xf32>
    %get3A_9 = arith.constant 0 : index
    %get3A_10 = arith.constant 0 : index
    %get3A_11 = vector.load %arg1[%get3A_9, %get3A_10] : memref<10000x128xf32, #tpu.memory_space<vmem>>, vector<10000x128xf32>
    %add3A_12 = arith.addf %add3A, %get3A_11 : vector<10000x128xf32>
    %get3A_13 = arith.constant 0 : index
    %get3A_14 = arith.constant 0 : index
    %get3A_15 = vector.load %arg2[%get3A_13, %get3A_14] : memref<10000x1xf32, #tpu.memory_space<vmem>>, vector<10000x1xf32>
    %mul3A = vector.broadcast %get3A_15 : vector<10000x1xf32> to vector<10000x128xf32>
    %mul3A_16 = arith.mulf %add3A_12, %mul3A : vector<10000x128xf32>
    %get3A_17 = arith.constant 0 : index
    %get3A_18 = arith.constant 0 : index
    %get3A_19 = vector.load %arg3[%get3A_17, %get3A_18] : memref<1x128xf32, #tpu.memory_space<vmem>>, vector<1x128xf32>
    %add3A_20 = vector.broadcast %get3A_19 : vector<1x128xf32> to vector<10000x128xf32>
    %add3A_21 = arith.addf %mul3A_16, %add3A_20 : vector<10000x128xf32>
    %swap3A = arith.constant 0 : index
    %swap3A_22 = arith.constant 0 : index
    %swap3A_23 = vector.load %arg4[%swap3A, %swap3A_22] : memref<10000x128xf32, #tpu.memory_space<vmem>>, vector<10000x128xf32>
    tpu.vector_store %arg4[%swap3A, %swap3A_22], %add3A_21 {strides = array<i32>} : memref<10000x128xf32, #tpu.memory_space<vmem>>, vector<10000x128xf32>,
    return
  }
}

</mosaic_0001>

<sc_bundles>
// kernel: kernel.11.cloned.1.call-start
scs
__scs_entry_jumppad:
0x0: {  	(pc) =	sbr.rel $0x88, $3  }
0x1: {  	(tag) =	ssettag $0x0;
	lr =	simm.s32 $0x1  }
0x2: {  	[smem:$0x3F9B] =	sst lr;
	_ =	strace $0xD0000000  }
0x3: {  	_ = 	snop  }
0x4: {  	_ = 	snop  }
0x5: {  	_ = 	snop  }
0x6: {  	_ = 	snop  }
0x7: {  	_ = 	snop  }
__scs_overlays_trampoline_lowered:
0x8: {  	[smem:$0x3FAA] =	sst s0  }
0x9: {  	[smem:$0x3FAB] =	sst s1  }
0xa: {  	[smem:$0x3FAC] =	sst s2  }
0xb: {  	[smem:$0x3FAD] =	sst s3  }
0xc: {  	[smem:$0x3FAE] =	sst s4  }
0xd: {  	[smem:$0x3FAF] =	sst s5  }
0xe: {  	[smem:$0x3FB0] =	sst s6  }
0xf: {  	[smem:$0x3FB1] =	sst s7  }
0x10: {  	[smem:$0x3FB2] =	sst s8  }
0x11: {  	[smem:$0x3FB3] =	sst s9;
	s0 =	simm.s32 @!p0 $0x0  }
0x12: {  	s1 =	sld [smem:$0x3F99];
	s0 =	simm.s32 @p0 $0x1  }
0x13: {  	[smem:$0x3FB4] =	sst s0;
	s0 =	simm.s32 @!p1 $0x0  }
0x14: {  	s2 =	sld [smem:$0x3F98];
	s0 =	simm.s32 @p1 $0x1  }
0x15: {  	[smem:$0x3FB5] =	sst s0;
	s0 =	simm.s32 @!p2 $0x0  }
0x16: {  	s3 =	sld [smem:$0x3FDB];
	s0 =	simm.s32 @p2 $0x1  }
0x17: {  	s4 =	simm.s32 $0x1BF5;
	[smem:$0x3FB7] =	sst s0  }
0x18: {  	s0 =	sld [smem:$0x3F9A];
	_ =	swait.ge [sflag:s4], $0x0  }
0x19: {  	s7 =	sld [smem:$0x3F9B]  }
0x1a: {  	s8 =	sadd.s32 $0xFFFFE003, lr  }
0x1b: {  	s9 =	sadd.s32 $0xFFFFFEF7, lr;
	s5 =	simm.s32 $0xFFFFFFFF;
	p2 =	slt.u32 s8, $0xFFFFF086  }
0x1c: {  	p1 =	slt.u32 s9, $0xF7A;
	s5 =	simm.s32 @!p2 $0x0  }
0x1d: {  	s5 =	simm.s32 @p1 $0x1;
	p0 =	seq.s32 s7, s2  }
0x1e: {  	s7 =	smul.u32 @!p0 $0xF7A, s2;
	p2 =	seq.s32 @!p0 s5, $0x0  }
0x1f: {  	s9 =	smul.u32 $0xF7A, s1;
	s8 =	simm.s32 @!p0 $0x1BF5;
	p2 =	por !p2, p0  }
0x20: {  	[sflag:s8] =	ssyncset.s32 @!p0 $0xFFFFF086;
	s6 =	sadd.s32 @!p0 s3, s7;
	s7 =	simm.s32 @!p0 $0x108  }
0x21: {  	s3 =	sadd.s32 s3, s9;
	s6 =	sadd.s32 @!p0 $0x88, s6;
	s7 =	simm.s32 @p2 $0x1082  }
0x22: {  	[simem:s7], [sflag:s8] =	dma.local @!p0 [hbm:s6], $0xF7A  }
0x23: {  	s9 =	sor.u32 $0xD0000000, s2;
	s6 =	simm.s32 $0x108;
	_ =	swait.ge @!p0 [sflag:s8], $0x0  }
0x24: {  	s3 =	sadd.s32 $0x88, s3;
	s6 =	simm.s32 @!p1 $0x1082;
	[sflag:s4] =	ssyncset.s32 $0xFFFFF086  }
0x25: {  	[simem:s6], [sflag:s4] =	dma.local [hbm:s3], $0xF7A  }
0x26: {  	[smem:$0x3F9B] =	sst s1;
	(tag) =	ssettag s2;
	_ =	strace s9  }
0x27: {  	s1 =	sld [smem:$0x3FAB]  }
0x28: {  	s2 =	sld [smem:$0x3FAC]  }
0x29: {  	s4 =	sld [smem:$0x3FAE]  }
0x2a: {  	p0 =	seq.s32 s5, $0x0;
	s5 =	sld [smem:$0x3FAF]  }
0x2b: {  	s6 =	sld [smem:$0x3FB0]  }
0x2c: {  	s7 =	sld [smem:$0x3FB1]  }
0x2d: {  	s3 =	simm.s32 $0x108;
	s8 =	sld [smem:$0x3FB2]  }
0x2e: {  	s3 =	simm.s32 @!p0 $0x1082;
	s9 =	sld [smem:$0x3FB3]  }
0x2f: {  	lr =	sadd.s32 s0, s3;
	s0 =	sld [smem:$0x3FAA]  }
0x30: {  	s3 =	sld [smem:$0x3FAD]  }
0x31: {  	[smem:$0x3FB6] =	sst s10  }
0x32: {  	s10 =	sld [smem:$0x3FB4];
	_ =	sdelay $0x3  }
0x33: {  	p0 =	seq.s32 s10, $0x1;
	s10 =	sld [smem:$0x3FB6];
	_ =	sdelay $0x3  }
0x34: {  	[smem:$0x3FB6] =	sst s10  }
0x35: {  	s10 =	sld [smem:$0x3FB5];
	_ =	sdelay $0x3  }
0x36: {  	p1 =	seq.s32 s10, $0x1;
	s10 =	sld [smem:$0x3FB6];
	_ =	sdelay $0x3  }
0x37: {  	[smem:$0x3FB6] =	sst s10  }
0x38: {  	s10 =	sld [smem:$0x3FB7]  }
0x39: {  	_ = 	snop;
	(pc) =	sbr.ind lr, $3  }
0x3a: {  	_ = 	snop  }
0x3b: {  	_ = 	snop  }
0x3c: {  	p2 =	seq.s32 s10, $0x1;
	s10 =	sld [smem:$0x3FB6]  }
0x3d: {  	_ =	shalt  }
0x3e: {  	_ =	shalt  }
0x3f: {  	_ =	shalt  }
0x40: {  	_ =	shalt  }
0x41: {  	_ =	shalt  }
0x42: {  	_ =	shalt  }
0x43: {  	_ =	shalt  }
0x44: {  	_ =	shalt  }
0x45: {  	_ =	shalt  }
0x46: {  	_ =	shalt  }
0x47: {  	_ =	shalt  }
0x48: {  	_ =	shalt  }
0x49: {  	_ =	shalt  }
0x4a: {  	_ =	shalt  }
0x4b: {  	_ =	shalt  }
0x4c: {  	_ =	shalt  }
0x4d: {  	_ =	shalt  }
0x4e: {  	_ =	shalt  }
0x4f: {  	_ =	shalt  }
0x50: {  	_ =	shalt  }
0x51: {  	_ =	shalt  }
0x52: {  	_ =	shalt  }
0x53: {  	_ =	shalt  }
0x54: {  	_ =	shalt  }
0x55: {  	_ =	shalt  }
0x56: {  	_ =	shalt  }
0x57: {  	_ =	shalt  }
0x58: {  	_ =	shalt  }
0x59: {  	_ =	shalt  }
0x5a: {  	_ =	shalt  }
0x5b: {  	_ =	shalt  }
0x5c: {  	_ =	shalt  }
0x5d: {  	_ =	shalt  }
0x5e: {  	_ =	shalt  }
0x5f: {  	_ =	shalt  }
0x60: {  	_ =	shalt  }
0x61: {  	_ =	shalt  }
0x62: {  	_ =	shalt  }
0x63: {  	_ =	shalt  }
0x64: {  	_ =	shalt  }
0x65: {  	_ =	shalt  }
0x66: {  	_ =	shalt  }
0x67: {  	_ =	shalt  }
0x68: {  	_ =	shalt  }
0x69: {  	_ =	shalt  }
0x6a: {  	_ =	shalt  }
0x6b: {  	_ =	shalt  }
0x6c: {  	_ =	shalt  }
0x6d: {  	_ =	shalt  }
0x6e: {  	_ =	shalt  }
0x6f: {  	_ =	shalt  }
0x70: {  	_ =	shalt  }
0x71: {  	_ =	shalt  }
0x72: {  	_ =	shalt  }
0x73: {  	_ =	shalt  }
0x74: {  	_ =	shalt  }
0x75: {  	_ =	shalt  }
0x76: {  	_ =	shalt  }
0x77: {  	_ =	shalt  }
0x78: {  	_ =	shalt  }
0x79: {  	_ =	shalt  }
0x7a: {  	_ =	shalt  }
0x7b: {  	_ =	shalt  }
0x7c: {  	_ =	shalt  }
0x7d: {  	_ =	shalt  }
0x7e: {  	_ =	shalt  }
0x7f: {  	_ =	shalt  }
0x80: {  	_ =	shalt  }
0x81: {  	_ =	shalt  }
0x82: {  	_ =	shalt  }
0x83: {  	_ =	shalt  }
0x84: {  	_ =	shalt  }
0x85: {  	_ =	shalt  }
0x86: {  	_ =	shalt  }
0x87: {  	_ =	shalt  }
.Lfunc_end0:
.L_simem_size_0:
called_computation.1_lowered:
.L_overlay_start_0:
0x88: {  	s2 =	sld [smem:$0x3FD9]  }
0x89: {  	s3 =	sld [smem:$0x3FFE];
	_ =	sdelay $0x1  }
0x8a: {  	s1 =	srdreg.scid  }
0x8b: {  	s0 =	sand.u32 $0x1, s1  }
0x8c: {  	s17 =	sshll.u32 s0, $0xA;
	s2 =	sadd.s32 s3, s2  }
0x8d: {  	s2 =	sadd.s32 s2, s17  }
0x8e: {  	[smem:$0x3FC2] =	sst s2  }
0x8f: {  	_ = 	snop  }
0x90: {  	s2 =	sld [smem:$0x3FD0];
	(tm) =	ssettm $0x1  }
0x91: {  	s18 =	sld [smem:$0x3FFB];
	_ =	sdelay $0x3  }
0x92: {  	_ =	strace s18  }
0x93: {  	s3 =	sld [smem:$0x3FFC];
	_ =	sdelay $0x3  }
0x94: {  	_ =	strace s3  }
0x95: {  	s3 =	sld [smem:$0x3FFD];
	_ =	sdelay $0x3  }
0x96: {  	_ =	strace s3  }
0x97: {  	_ =	strace $0x8FFFFFFF  }
0x98: {  	s19 =	sld [smem:$0x3FDB];
	_ =	sdelay $0x1  }
0x99: {  	s4 =	simm.s32 $_scs_section_size  }
0x9a: {  	s5 =	simm.s32 $_size__tile_overlayer_lowered;
	s6 =	simm.s32 $_tile_overlayer_lowered  }
0x9b: {  	s22 =	simm.s32 $0x1BFF;
	s21 =	sshll.u32 s6, $0x1;
	s3 =	sadd.s32 s4, s19  }
0x9c: {  	s7 =	simm.s32 $0x0;
	s20 =	sshll.u32 s5, $0x1;
	s5 =	sadd.s32 s21, s3  }
0x9d: {  	[timem:s7], [sflag:s22] =	dma.local [hbm:s5], s20  }
0x9e: {  	_ =	swait.ge [sflag:s22], s20  }
0x9f: {  	s4 =	ssub.s32 $0x0, s20;
	[sflag:s22] =	ssyncset.done $0x0  }
0xa0: {  	[sflag:s22] =	ssyncadd.s32 s4;
	_ =	sdelay $0x1  }
0xa1: {  	s23 =	simm.s32 $0x1B8B  }
0xa2: {  	_ =	swait.ge [sflag:s23], $0x1  }
0xa3: {  	[sflag:s23] =	ssyncset.done $0x0  }
0xa4: {  	s25 =	simm.s32 $0x1B8E;
	s24 =	sld [smem:$0x3FFE];
	[sflag:s23] =	ssyncadd.s32 $0xFFFFFFFF  }
0xa5: {  	s26 =	simm.s32 $execute0_lowered;
	[smem:$0x3FD2] =	sst s25  }
0xa6: {  	s5 =	sshll.u32 s26, $0x1;
	_ =	strace $0x80000049;
	[dreg:$0x1] =	wrdreg $0xFFFFFFFF  }
0xa7: {  	s28 =	simm.s32 $_size_execute0_lowered;
	s3 =	sadd.s32 s3, s5;
	[dreg:$0x0] =	wrdreg $0x0  }
0xa8: {  	s5 =	sshll.u32 s28, $0x1;
	[dreg:$0x2] =	wrdreg s3  }
0xa9: {  	[dreg:$0x3] =	wrdreg s5  }
0xaa: {  	[dreg:$0x4] =	wrdreg $0xC0  }
0xab: {  	_ =	task [dreg:s7], $0x5FFFF  }
0xac: {  	[dreg:$0x1] =	wrdreg $0xFFFFFFFF  }
0xad: {  	[dreg:$0x0] =	wrdreg $0x60  }
0xae: {  	[dreg:$0x2] =	wrdreg s24  }
0xaf: {  	[dreg:$0x3] =	wrdreg s2  }
0xb0: {  	[dreg:$0x4] =	wrdreg $0x42000  }
0xb1: {  	[dreg:$0x5] =	wrdreg $0x9  }
0xb2: {  	_ =	task.clear_ibuf [dreg:s7], $0x6FFFF;
	_ =	strace $0x90000049  }
0xb3: {  	s29 =	simm.s32 $0x9;
	_ =	strace $0x8000004B  }
0xb4: {  	_ =	swait.ge [sflag:s29], $0x1  }
0xb5: {  	[sflag:s29] =	ssyncadd.s32 $0xFFFFFFFF  }
0xb6: {  	_ =	strace $0x9000004B  }
0xb7: {  	_ =	sfence  }
0xb8: {  	s30 =	sld [smem:$0x0];
	_ =	sdelay $0x2  }
0xb9: {  	s31 =	sshll.u32 s1, $0xD;
	s1 =	sshrl.u32 s1, $0x2  }
0xba: {  	s3 =	sand.u32 $0x4000, s31;
	s1 =	sadd.s32 s1, s30  }
0xbb: {  	s0 =	sor.u32 s3, s0;
	s1 =	sshll.u32 s1, $0x11  }
0xbc: {  	s0 =	sor.u32 s1, s0  }
0xbd: {  	s0 =	sadd.s32 $0x8F2B, s0  }
0xbe: {  	[sflag:s0] =	ssyncadd.remote.s32 $0x1  }
0xbf: {  	_ =	sfence.sel $0xFFFF  }
0xc0: {  	[dreg:$0x0] =	wrdreg $0xFFFFFFFF;
	(pc) =	sbr.abs _section_cstart, $3  }
0xc1: {  	[dreg:$0x1] =	wrdreg $0xFFFFFFFF  }
0xc2: {  	_ =	task.clear_ibuf [dreg:s7], $0x2FFFF;
	_ =	strace $0x9FFFFFFF  }
0xc3: {  	(tm) =	ssettm $0x7FFFFFFF  }
tec
execute0_lowered:
.L_overlay_start_1:
0x0: {  	(tag) =	ssettag $0x1  }
0x1: {  	s5 =	rddreg [dreg:$0x0]  }
0x2: {  	s1 =	rddreg [dreg:$0x1]  }
0x3: {  	s2 =	rddreg [dreg:$0x2]  }
0x4: {  	s0 =	rddreg [dreg:$0x3]  }
0x5: {  	s3 =	simm.s32 $0x0;
	s4 =	srdreg.scid;
	s18 =	simm.s32 $0x1  }
0x6: {  	s19 =	simm.s32 $0x100;
	s20 =	simm.s32 $0x180;
	s7 =	sand.u32 $0x1, s4  }
0x7: {  	s21 =	simm.s32 $0x10;
	s4 =	stileid.u32;
	s6 =	smul.u32 $0x28000, s7  }
0x8: {  	[smem:$0x7FF] =	sst s3;
	s14 =	sadd.s32 $0x2800, s5;
	s8 =	smul.u32 $0x50000, s4  }
0x9: {  	s13 =	sadd.s32 $0xC600, s5;
	_ =	strace $0x8000004A;
	s16 =	smul.u32 $0x27100, s7  }
0xa: {  	s30 =	sshll.u32 s7, $0x4;
	s31 =	ssub.s32 $0x2, s7;
	s17 =	smul.u32 $0x2710, s4  }
0xb: {  	s23 =	smul.u32 $0x2800, s4;
	s9 =	sshrl.u32 s31, $0x1;
	s12 =	sadd.s32 s6, s5  }
0xc: {  	s5 =	sor.u32 s4, s30;
	s8 =	sshrl.u32 s8, $0x2;
	s15 =	ssub.s32 s31, s9  }
0xd: {  	s16 =	sadd.s32 s17, s16;
	s17 =	simm.s32 $0x80;
	s10 =	smul.u32 $0x2710, s5  }
0xe: {  	s5 =	sadd.s32 s8, s2;
	s22 =	sadd.s32 $0x16400, s12;
	s16 =	sshrl.u32 s16, $0x3  }
0xf: {  	s12 =	smax.u32 s15, $0x1;
	s15 =	simm.s32 $0x200;
	s6 =	sadd.s32 $0x4000, s5  }
0x10: {  	s7 =	sadd.s32 $0x8000, s5;
	s8 =	sadd.s32 $0xC000, s5;
	s10 =	sshrl.u32 s10, $0x3  }
0x11: {  	s9 =	sadd.s32 $0x10000, s5;
	s22 =	sadd.s32 s23, s22;
	s11 =	sadd.s32 $0x4E0, s10  }
0x12: {  	s23 =	simm.s32 $0x0;
	s10 =	sadd.s32 s14, s11;
	s11 =	sadd.s32 s13, s11  }
0x13: {  	v0 =	vimm.f32 $0.0e+00;
	s13 =	sadd.s32 s16, s13;
	s14 =	sadd.s32 s16, s14;
	s16 =	simm.s32 $0x2  }
.LBB2_1:
0x14: {  	s24 =	simm.s32 $0x0;
	s25 =	simm.s32 $0x200  }
.LBB2_2:
0x15: {  	p0 =	sne.s32 s25, $0xFE00;
	[tilespmem:s24+$0x270] =	vst v0  }
0x16: {  	[tilespmem:s24+$0x200] =	vst v0  }
0x17: {  	[tilespmem:s24+$0x210] =	vst v0  }
.Ltmp0:
0x18: {  	[tilespmem:s24+$0x220] =	vst v0;
	(pc) =	sbr.rel @p0 .LBB2_2-.Ltmp0, $4  }
0x19: {  	[tilespmem:s24+$0x230] =	vst v0  }
0x1a: {  	[tilespmem:s24+$0x240] =	vst v0  }
0x1b: {  	[tilespmem:s24+$0x250] =	vst v0  }
0x1c: {  	[tilespmem:s24+$0x260] =	vst v0;
	s24 =	sshra.s32 s25, $0x2;
	s25 =	sadd.s32 $0x200, s25  }
0x1d: {  	[tilespmem:s24+$0x270] =	vst v0  }
0x1e: {  	[tilespmem:s24+$0x200] =	vst v0  }
0x1f: {  	[tilespmem:s24+$0x210] =	vst v0  }
0x20: {  	[tilespmem:s24+$0x220] =	vst v0  }
0x21: {  	[tilespmem:s24+$0x230] =	vst v0  }
0x22: {  	[tilespmem:s24+$0x240] =	vst v0  }
0x23: {  	[tilespmem:s24+$0x250] =	vst v0  }
0x24: {  	[tilespmem:s24+$0x260] =	vst v0  }
0x25: {  	[spmem:s5] =	stream.linear.scatter [tilespmem:s15], [sflag:$0x2], $0x4000, $0x38;
	[tilespmem:$0x18200] =	vst v63  }
0x26: {  	_ =	swait.ge [sflag:s16], $0x4000  }
0x27: {  	[sflag:s16] =	ssyncset.done $0x0  }
0x28: {  	[sflag:s16] =	ssyncadd.s32 $0xFFFFC000  }
0x29: {  	[spmem:s6] =	stream.linear.scatter [tilespmem:s15], [sflag:$0x2], $0x4000, $0x38;
	[tilespmem:$0x18200] =	vst v63  }
0x2a: {  	_ =	swait.ge [sflag:s16], $0x4000  }
0x2b: {  	[sflag:s16] =	ssyncset.done $0x0  }
0x2c: {  	[sflag:s16] =	ssyncadd.s32 $0xFFFFC000  }
0x2d: {  	[spmem:s7] =	stream.linear.scatter [tilespmem:s15], [sflag:$0x2], $0x4000, $0x38;
	[tilespmem:$0x18200] =	vst v63  }
0x2e: {  	_ =	swait.ge [sflag:s16], $0x4000  }
0x2f: {  	[sflag:s16] =	ssyncset.done $0x0  }
0x30: {  	[sflag:s16] =	ssyncadd.s32 $0xFFFFC000  }
0x31: {  	[spmem:s8] =	stream.linear.scatter [tilespmem:s15], [sflag:$0x2], $0x4000, $0x38;
	[tilespmem:$0x18200] =	vst v63  }
0x32: {  	_ =	swait.ge [sflag:s16], $0x4000  }
0x33: {  	[sflag:s16] =	ssyncset.done $0x0  }
0x34: {  	[sflag:s16] =	ssyncadd.s32 $0xFFFFC000  }
0x35: {  	[spmem:s9] =	stream.linear.scatter [tilespmem:s15], [sflag:$0x2], $0x4000, $0x38;
	[tilespmem:$0x18200] =	vst v63  }
0x36: {  	_ =	swait.ge [sflag:s16], $0x4000  }
0x37: {  	[sflag:s16] =	ssyncset.done $0x0  }
0x38: {  	[sflag:s16] =	ssyncadd.s32 $0xFFFFC000  }
0x39: {  	s30 =	sadd.s32 $0x0, s14;
	[bflag:$0x0] =	sbarrier.arrive $0xFFFF  }
0x3a: {  	[tilespmem:s3], [sflag:$0x2] =	stream.linear.gather [hbm4b:s30+s3], $0x80, $0x38;
	[tilespmem:$0x18200] =	vst v63  }
0x3b: {  	_ =	swait.ge [sflag:s16], $0x80  }
0x3c: {  	[sflag:s16] =	ssyncset.done $0x0  }
0x3d: {  	s31 =	sadd.s32 $0x0, s13;
	[sflag:s16] =	ssyncadd.s32 $0xFFFFFF80  }
0x3e: {  	[tilespmem:s17], [sflag:$0x2] =	stream.linear.gather [hbm4b:s31+s3], $0x80, $0x38;
	[tilespmem:$0x18200] =	vst v63  }
0x3f: {  	_ =	swait.ge [sflag:s16], $0x80  }
0x40: {  	[sflag:s16] =	ssyncset.done $0x0  }
0x41: {  	[sflag:s16] =	ssyncadd.s32 $0xFFFFFF80  }
0x42: {  	[tilespmem:s15], [sflag:$0x1] =	stream.indirect.gather [hbm4b:s1+s17], $0x80, s3, s17, $0xb8;
	[tilespmem:$0x18200] =	vst v63  }
0x43: {  	_ =	swait.ge [sflag:s18], $0x4000  }
0x44: {  	[sflag:s18] =	ssyncset.done $0x0  }
0x45: {  	[sflag:s18] =	ssyncadd.s32 $0xFFFFC000  }
0x46: {  	[spmem:s2] =	stream.indirect.scatter.add.f32 [tilespmem:s15], [sflag:$0x2], $0x80, s17, s17, $0xb8;
	[tilespmem:$0x18200] =	vst v63  }
0x47: {  	_ =	swait.ge [sflag:s16], $0x4000  }
0x48: {  	s24 =	simm.s32 $0x10;
	s25 =	simm.s32 $0x20;
	[sflag:s16] =	ssyncset.done $0x0  }
.LBB2_4:
0x49: {  	s26 =	sadd.s32 s24, s14  }
0x4a: {  	[sflag:s16] =	ssyncadd.s32 $0xFFFFC000;
	s28 =	smov.u32 s25;
	s29 =	sadd.s32 $0x10, s25  }
0x4b: {  	[tilespmem:s3], [sflag:$0x2] =	stream.linear.gather [hbm4b:s26+s3], $0x80, $0x38;
	[tilespmem:$0x18200] =	vst v63  }
0x4c: {  	p0 =	sne.s32 s25, $0x4D0;
	_ =	swait.ge [sflag:s16], $0x80  }
0x4d: {  	[sflag:s16] =	ssyncset.done $0x0  }
0x4e: {  	s25 =	sadd.s32 s24, s13;
	s24 =	smov.u32 s28;
	[sflag:s16] =	ssyncadd.s32 $0xFFFFFF80  }
0x4f: {  	[tilespmem:s17], [sflag:$0x2] =	stream.linear.gather [hbm4b:s25+s3], $0x80, $0x38;
	[tilespmem:$0x18200] =	vst v63  }
0x50: {  	_ =	swait.ge [sflag:s16], $0x80  }
0x51: {  	[sflag:s16] =	ssyncset.done $0x0  }
0x52: {  	[sflag:s16] =	ssyncadd.s32 $0xFFFFFF80  }
0x53: {  	[tilespmem:s15], [sflag:$0x1] =	stream.indirect.gather [hbm4b:s1+s17], $0x80, s3, s17, $0xb8;
	[tilespmem:$0x18200] =	vst v63  }
0x54: {  	_ =	swait.ge [sflag:s18], $0x4000  }
.Ltmp1:
0x55: {  	[sflag:s18] =	ssyncset.done $0x0;
	(pc) =	sbr.rel @p0 .LBB2_4-.Ltmp1, $4  }
0x56: {  	[sflag:s18] =	ssyncadd.s32 $0xFFFFC000  }
0x57: {  	[spmem:s2] =	stream.indirect.scatter.add.f32 [tilespmem:s15], [sflag:$0x2], $0x80, s17, s17, $0xb8;
	[tilespmem:$0x18200] =	vst v63  }
0x58: {  	_ =	swait.ge [sflag:s16], $0x4000  }
0x59: {  	s25 =	smov.u32 s29;
	[sflag:s16] =	ssyncset.done $0x0  }
0x5a: {  	s25 =	sadd.s32 s24, s14;
	[sflag:s16] =	ssyncadd.s32 $0xFFFFC000  }
0x5b: {  	[tilespmem:s3], [sflag:$0x2] =	stream.linear.gather [hbm4b:s25+s3], $0x80, $0x38;
	[tilespmem:$0x18200] =	vst v63  }
0x5c: {  	_ =	swait.ge [sflag:s16], $0x80  }
0x5d: {  	[sflag:s16] =	ssyncset.done $0x0  }
0x5e: {  	s29 =	sadd.s32 s24, s13;
	[sflag:s16] =	ssyncadd.s32 $0xFFFFFF80  }
0x5f: {  	[tilespmem:s17], [sflag:$0x2] =	stream.linear.gather [hbm4b:s29+s3], $0x80, $0x38;
	[tilespmem:$0x18200] =	vst v63  }
0x60: {  	_ =	swait.ge [sflag:s16], $0x80  }
0x61: {  	[sflag:s16] =	ssyncset.done $0x0  }
0x62: {  	[sflag:s16] =	ssyncadd.s32 $0xFFFFFF80  }
0x63: {  	[tilespmem:s15], [sflag:$0x1] =	stream.indirect.gather [hbm4b:s1+s17], $0x80, s3, s17, $0xb8;
	[tilespmem:$0x18200] =	vst v63  }
0x64: {  	_ =	swait.ge [sflag:s18], $0x4000  }
0x65: {  	[sflag:s18] =	ssyncset.done $0x0  }
0x66: {  	[sflag:s18] =	ssyncadd.s32 $0xFFFFC000  }
0x67: {  	[spmem:s2] =	stream.indirect.scatter.add.f32 [tilespmem:s15], [sflag:$0x2], $0x80, s17, s17, $0xb8;
	[tilespmem:$0x18200] =	vst v63  }
0x68: {  	_ =	swait.ge [sflag:s16], $0x4000  }
0x69: {  	[sflag:s16] =	ssyncset.done $0x0  }
0x6a: {  	[sflag:s16] =	ssyncadd.s32 $0xFFFFC000  }
0x6b: {  	[tilespmem:s19], [sflag:$0x2] =	stream.linear.gather [hbm4b:s10+s3], $0x10, $0x38;
	[tilespmem:$0x18200] =	vst v63  }
0x6c: {  	_ =	swait.ge [sflag:s16], $0x10  }
0x6d: {  	[sflag:s16] =	ssyncset.done $0x0  }
0x6e: {  	[sflag:s16] =	ssyncadd.s32 $0xFFFFFFF0  }
0x6f: {  	[tilespmem:s20], [sflag:$0x2] =	stream.linear.gather [hbm4b:s11+s3], $0x10, $0x38;
	[tilespmem:$0x18200] =	vst v63  }
0x70: {  	_ =	swait.ge [sflag:s16], $0x10  }
0x71: {  	[sflag:s16] =	ssyncset.done $0x0  }
0x72: {  	[sflag:s16] =	ssyncadd.s32 $0xFFFFFFF0  }
0x73: {  	[tilespmem:s15], [sflag:$0x1] =	stream.indirect.gather [hbm4b:s1+s21], $0x80, s19, s21, $0xb8;
	[tilespmem:$0x18200] =	vst v63  }
0x74: {  	_ =	swait.ge [sflag:s18], $0x800  }
0x75: {  	[sflag:s18] =	ssyncset.done $0x0  }
0x76: {  	[sflag:s18] =	ssyncadd.s32 $0xFFFFF800  }
0x77: {  	[spmem:s2] =	stream.indirect.scatter.add.f32 [tilespmem:s15], [sflag:$0x2], $0x80, s20, s21, $0xb8;
	[tilespmem:$0x18200] =	vst v63  }
0x78: {  	_ =	swait.ge [sflag:s16], $0x800  }
0x79: {  	s30 =	sshll.u32 s4, $0x6;
	s23 =	sadd.s32 $0x1, s23;
	[sflag:s16] =	ssyncset.done $0x0  }
0x7a: {  	s31 =	sshrl.u32 s5, $0x3;
	p0 =	sne.s32 s23, s12;
	[sflag:s16] =	ssyncadd.s32 $0xFFFFF800  }
.Ltmp2:
0x7b: {  	s24 =	sor.u32 $0x1C02, s30;
	[bflag:$0x0] =	sbarrier.arrive $0xFFFF;
	(pc) =	sbr.rel @p0 .LBB2_1-.Ltmp2, $4  }
0x7c: {  	[hbm:s22], [sflag:s24] =	dma.local [spmem:s31], $0x2800  }
0x7d: {  	_ =	swait.ge [sflag:s16], $0x2800  }
0x7e: {  	[sflag:s16] =	ssyncset.done $0x0  }
0x7f: {  	[sflag:s16] =	ssyncadd.s32 $0xFFFFD800  }
0x80: {  	_ =	sfence.sel $0x180000  }
0x81: {  	[bflag:$0x0] =	sbarrier.arrive $0xFFFF  }
0x82: {  	p0 =	sne.s32 s4, $0x0;
	_ =	strace $0x9000004A  }
0x83: {  	s0 =	sadd.s32 @!p0 $0x100000, s0;
	[bflag:$0x2] =	sbarrier.arrive $0xFFFF  }
0x84: {  	[sflag:s0] =	ssyncadd.tile.s32 @!p0 $0x1;
	_ =	shalt  }
.Lfunc_end2:
_tile_overlayer_lowered:
.L_overlay_start_2:
0x85: {  	(tag) =	ssettag $0x2  }
0x86: {  	s0 =	rddreg [dreg:$0x0];
	s2 =	stileid.u32  }
0x87: {  	s1 =	rddreg [dreg:$0x1];
	p0 =	sne.s32 s2, $0x0  }
0x88: {  	s3 =	rddreg [dreg:$0x2];
	[bflag:$0x3] =	sbarrier.arrive $0xFFFF;
	s2 =	simm.s32 @!p0 $0x1C02  }
0x89: {  	[timem:s3], [sflag:s2] =	dma.local @!p0 [hbm:s0], s1  }
0x8a: {  	s0 =	simm.s32 @!p0 $0x2  }
0x8b: {  	_ =	swait.ge @!p0 [sflag:s0], s1  }
0x8c: {  	s1 =	ssub.s32 @!p0 $0x0, s1;
	[sflag:s0] =	ssyncset.done @!p0 $0x0  }
0x8d: {  	[sflag:s0] =	ssyncadd.s32 @!p0 s1  }
0x8e: {  	[bflag:$0x3] =	sbarrier.arrive $0xFFFF  }
0x8f: {  	_ =	shalt  }

// kernel: kernel.14.cloned.1.call-start
scs
__scs_entry_jumppad:
0x0: {  	(pc) =	sbr.rel $0x88, $3  }
0x1: {  	(tag) =	ssettag $0x0;
	lr =	simm.s32 $0x1  }
0x2: {  	[smem:$0x3F9B] =	sst lr;
	_ =	strace $0xD0000000  }
0x3: {  	_ = 	snop  }
0x4: {  	_ = 	snop  }
0x5: {  	_ = 	snop  }
0x6: {  	_ = 	snop  }
0x7: {  	_ = 	snop  }
__scs_overlays_trampoline_lowered:
0x8: {  	[smem:$0x3FAA] =	sst s0  }
0x9: {  	[smem:$0x3FAB] =	sst s1  }
0xa: {  	[smem:$0x3FAC] =	sst s2  }
0xb: {  	[smem:$0x3FAD] =	sst s3  }
0xc: {  	[smem:$0x3FAE] =	sst s4  }
0xd: {  	[smem:$0x3FAF] =	sst s5  }
0xe: {  	[smem:$0x3FB0] =	sst s6  }
0xf: {  	[smem:$0x3FB1] =	sst s7  }
0x10: {  	[smem:$0x3FB2] =	sst s8  }
0x11: {  	[smem:$0x3FB3] =	sst s9;
	s0 =	simm.s32 @!p0 $0x0  }
0x12: {  	s1 =	sld [smem:$0x3F99];
	s0 =	simm.s32 @p0 $0x1  }
0x13: {  	[smem:$0x3FB4] =	sst s0;
	s0 =	simm.s32 @!p1 $0x0  }
0x14: {  	s2 =	sld [smem:$0x3F98];
	s0 =	simm.s32 @p1 $0x1  }
0x15: {  	[smem:$0x3FB5] =	sst s0;
	s0 =	simm.s32 @!p2 $0x0  }
0x16: {  	s3 =	sld [smem:$0x3FDB];
	s0 =	simm.s32 @p2 $0x1  }
0x17: {  	s4 =	simm.s32 $0x1BF5;
	[smem:$0x3FB7] =	sst s0  }
0x18: {  	s0 =	sld [smem:$0x3F9A];
	_ =	swait.ge [sflag:s4], $0x0  }
0x19: {  	s7 =	sld [smem:$0x3F9B]  }
0x1a: {  	s8 =	sadd.s32 $0xFFFFE003, lr  }
0x1b: {  	s9 =	sadd.s32 $0xFFFFFEF7, lr;
	s5 =	simm.s32 $0xFFFFFFFF;
	p2 =	slt.u32 s8, $0xFFFFF086  }
0x1c: {  	p1 =	slt.u32 s9, $0xF7A;
	s5 =	simm.s32 @!p2 $0x0  }
0x1d: {  	s5 =	simm.s32 @p1 $0x1;
	p0 =	seq.s32 s7, s2  }
0x1e: {  	s7 =	smul.u32 @!p0 $0xF7A, s2;
	p2 =	seq.s32 @!p0 s5, $0x0  }
0x1f: {  	s9 =	smul.u32 $0xF7A, s1;
	s8 =	simm.s32 @!p0 $0x1BF5;
	p2 =	por !p2, p0  }
0x20: {  	[sflag:s8] =	ssyncset.s32 @!p0 $0xFFFFF086;
	s6 =	sadd.s32 @!p0 s3, s7;
	s7 =	simm.s32 @!p0 $0x108  }
0x21: {  	s3 =	sadd.s32 s3, s9;
	s6 =	sadd.s32 @!p0 $0x88, s6;
	s7 =	simm.s32 @p2 $0x1082  }
0x22: {  	[simem:s7], [sflag:s8] =	dma.local @!p0 [hbm:s6], $0xF7A  }
0x23: {  	s9 =	sor.u32 $0xD0000000, s2;
	s6 =	simm.s32 $0x108;
	_ =	swait.ge @!p0 [sflag:s8], $0x0  }
0x24: {  	s3 =	sadd.s32 $0x88, s3;
	s6 =	simm.s32 @!p1 $0x1082;
	[sflag:s4] =	ssyncset.s32 $0xFFFFF086  }
0x25: {  	[simem:s6], [sflag:s4] =	dma.local [hbm:s3], $0xF7A  }
0x26: {  	[smem:$0x3F9B] =	sst s1;
	(tag) =	ssettag s2;
	_ =	strace s9  }
0x27: {  	s1 =	sld [smem:$0x3FAB]  }
0x28: {  	s2 =	sld [smem:$0x3FAC]  }
0x29: {  	s4 =	sld [smem:$0x3FAE]  }
0x2a: {  	p0 =	seq.s32 s5, $0x0;
	s5 =	sld [smem:$0x3FAF]  }
0x2b: {  	s6 =	sld [smem:$0x3FB0]  }
0x2c: {  	s7 =	sld [smem:$0x3FB1]  }
0x2d: {  	s3 =	simm.s32 $0x108;
	s8 =	sld [smem:$0x3FB2]  }
0x2e: {  	s3 =	simm.s32 @!p0 $0x1082;
	s9 =	sld [smem:$0x3FB3]  }
0x2f: {  	lr =	sadd.s32 s0, s3;
	s0 =	sld [smem:$0x3FAA]  }
0x30: {  	s3 =	sld [smem:$0x3FAD]  }
0x31: {  	[smem:$0x3FB6] =	sst s10  }
0x32: {  	s10 =	sld [smem:$0x3FB4];
	_ =	sdelay $0x3  }
0x33: {  	p0 =	seq.s32 s10, $0x1;
	s10 =	sld [smem:$0x3FB6];
	_ =	sdelay $0x3  }
0x34: {  	[smem:$0x3FB6] =	sst s10  }
0x35: {  	s10 =	sld [smem:$0x3FB5];
	_ =	sdelay $0x3  }
0x36: {  	p1 =	seq.s32 s10, $0x1;
	s10 =	sld [smem:$0x3FB6];
	_ =	sdelay $0x3  }
0x37: {  	[smem:$0x3FB6] =	sst s10  }
0x38: {  	s10 =	sld [smem:$0x3FB7]  }
0x39: {  	_ = 	snop;
	(pc) =	sbr.ind lr, $3  }
0x3a: {  	_ = 	snop  }
0x3b: {  	_ = 	snop  }
0x3c: {  	p2 =	seq.s32 s10, $0x1;
	s10 =	sld [smem:$0x3FB6]  }
0x3d: {  	_ =	shalt  }
0x3e: {  	_ =	shalt  }
0x3f: {  	_ =	shalt  }
0x40: {  	_ =	shalt  }
0x41: {  	_ =	shalt  }
0x42: {  	_ =	shalt  }
0x43: {  	_ =	shalt  }
0x44: {  	_ =	shalt  }
0x45: {  	_ =	shalt  }
0x46: {  	_ =	shalt  }
0x47: {  	_ =	shalt  }
0x48: {  	_ =	shalt  }
0x49: {  	_ =	shalt  }
0x4a: {  	_ =	shalt  }
0x4b: {  	_ =	shalt  }
0x4c: {  	_ =	shalt  }
0x4d: {  	_ =	shalt  }
0x4e: {  	_ =	shalt  }
0x4f: {  	_ =	shalt  }
0x50: {  	_ =	shalt  }
0x51: {  	_ =	shalt  }
0x52: {  	_ =	shalt  }
0x53: {  	_ =	shalt  }
0x54: {  	_ =	shalt  }
0x55: {  	_ =	shalt  }
0x56: {  	_ =	shalt  }
0x57: {  	_ =	shalt  }
0x58: {  	_ =	shalt  }
0x59: {  	_ =	shalt  }
0x5a: {  	_ =	shalt  }
0x5b: {  	_ =	shalt  }
0x5c: {  	_ =	shalt  }
0x5d: {  	_ =	shalt  }
0x5e: {  	_ =	shalt  }
0x5f: {  	_ =	shalt  }
0x60: {  	_ =	shalt  }
0x61: {  	_ =	shalt  }
0x62: {  	_ =	shalt  }
0x63: {  	_ =	shalt  }
0x64: {  	_ =	shalt  }
0x65: {  	_ =	shalt  }
0x66: {  	_ =	shalt  }
0x67: {  	_ =	shalt  }
0x68: {  	_ =	shalt  }
0x69: {  	_ =	shalt  }
0x6a: {  	_ =	shalt  }
0x6b: {  	_ =	shalt  }
0x6c: {  	_ =	shalt  }
0x6d: {  	_ =	shalt  }
0x6e: {  	_ =	shalt  }
0x6f: {  	_ =	shalt  }
0x70: {  	_ =	shalt  }
0x71: {  	_ =	shalt  }
0x72: {  	_ =	shalt  }
0x73: {  	_ =	shalt  }
0x74: {  	_ =	shalt  }
0x75: {  	_ =	shalt  }
0x76: {  	_ =	shalt  }
0x77: {  	_ =	shalt  }
0x78: {  	_ =	shalt  }
0x79: {  	_ =	shalt  }
0x7a: {  	_ =	shalt  }
0x7b: {  	_ =	shalt  }
0x7c: {  	_ =	shalt  }
0x7d: {  	_ =	shalt  }
0x7e: {  	_ =	shalt  }
0x7f: {  	_ =	shalt  }
0x80: {  	_ =	shalt  }
0x81: {  	_ =	shalt  }
0x82: {  	_ =	shalt  }
0x83: {  	_ =	shalt  }
0x84: {  	_ =	shalt  }
0x85: {  	_ =	shalt  }
0x86: {  	_ =	shalt  }
0x87: {  	_ =	shalt  }
.Lfunc_end0:
.L_simem_size_0:
called_computation.2_lowered:
.L_overlay_start_0:
0x88: {  	s2 =	sld [smem:$0x3FD9]  }
0x89: {  	s3 =	sld [smem:$0x3FFE];
	_ =	sdelay $0x1  }
0x8a: {  	s1 =	srdreg.scid  }
0x8b: {  	s0 =	sand.u32 $0x1, s1  }
0x8c: {  	s17 =	sshll.u32 s0, $0xA;
	s2 =	sadd.s32 s3, s2  }
0x8d: {  	s2 =	sadd.s32 s2, s17  }
0x8e: {  	[smem:$0x3FC2] =	sst s2  }
0x8f: {  	_ = 	snop  }
0x90: {  	s2 =	sld [smem:$0x3FD0];
	(tm) =	ssettm $0x1  }
0x91: {  	s18 =	sld [smem:$0x3FFB];
	_ =	sdelay $0x3  }
0x92: {  	_ =	strace s18  }
0x93: {  	s3 =	sld [smem:$0x3FFC];
	_ =	sdelay $0x3  }
0x94: {  	_ =	strace s3  }
0x95: {  	s3 =	sld [smem:$0x3FFD];
	_ =	sdelay $0x3  }
0x96: {  	_ =	strace s3  }
0x97: {  	_ =	strace $0x8FFFFFFF  }
0x98: {  	s19 =	sld [smem:$0x3FDB];
	_ =	sdelay $0x1  }
0x99: {  	s4 =	simm.s32 $_scs_section_size  }
0x9a: {  	s5 =	simm.s32 $_size__tile_overlayer_lowered;
	s6 =	simm.s32 $_tile_overlayer_lowered  }
0x9b: {  	s22 =	simm.s32 $0x1BFF;
	s21 =	sshll.u32 s6, $0x1;
	s3 =	sadd.s32 s4, s19  }
0x9c: {  	s7 =	simm.s32 $0x0;
	s20 =	sshll.u32 s5, $0x1;
	s5 =	sadd.s32 s21, s3  }
0x9d: {  	[timem:s7], [sflag:s22] =	dma.local [hbm:s5], s20  }
0x9e: {  	_ =	swait.ge [sflag:s22], s20  }
0x9f: {  	s4 =	ssub.s32 $0x0, s20;
	[sflag:s22] =	ssyncset.done $0x0  }
0xa0: {  	[sflag:s22] =	ssyncadd.s32 s4;
	_ =	sdelay $0x1  }
0xa1: {  	s23 =	simm.s32 $0x1B8B  }
0xa2: {  	_ =	swait.ge [sflag:s23], $0x1  }
0xa3: {  	[sflag:s23] =	ssyncset.done $0x0  }
0xa4: {  	s25 =	simm.s32 $0x1B8E;
	s24 =	sld [smem:$0x3FFE];
	[sflag:s23] =	ssyncadd.s32 $0xFFFFFFFF  }
0xa5: {  	s26 =	simm.s32 $execute0_lowered;
	[smem:$0x3FD2] =	sst s25  }
0xa6: {  	s5 =	sshll.u32 s26, $0x1;
	_ =	strace $0x8000004C;
	[dreg:$0x1] =	wrdreg $0xFFFFFFFF  }
0xa7: {  	s28 =	simm.s32 $_size_execute0_lowered;
	s3 =	sadd.s32 s3, s5;
	[dreg:$0x0] =	wrdreg $0x0  }
0xa8: {  	s5 =	sshll.u32 s28, $0x1;
	[dreg:$0x2] =	wrdreg s3  }
0xa9: {  	[dreg:$0x3] =	wrdreg s5  }
0xaa: {  	[dreg:$0x4] =	wrdreg $0xC0  }
0xab: {  	_ =	task [dreg:s7], $0x5FFFF  }
0xac: {  	[dreg:$0x1] =	wrdreg $0xFFFFFFFF  }
0xad: {  	[dreg:$0x0] =	wrdreg $0x60  }
0xae: {  	[dreg:$0x2] =	wrdreg s24  }
0xaf: {  	[dreg:$0x3] =	wrdreg s2  }
0xb0: {  	[dreg:$0x4] =	wrdreg $0x42000  }
0xb1: {  	[dreg:$0x5] =	wrdreg $0x9  }
0xb2: {  	_ =	task.clear_ibuf [dreg:s7], $0x6FFFF;
	_ =	strace $0x9000004C  }
0xb3: {  	s29 =	simm.s32 $0x9;
	_ =	strace $0x8000004E  }
0xb4: {  	_ =	swait.ge [sflag:s29], $0x1  }
0xb5: {  	[sflag:s29] =	ssyncadd.s32 $0xFFFFFFFF  }
0xb6: {  	_ =	strace $0x9000004E  }
0xb7: {  	_ =	sfence  }
0xb8: {  	s30 =	sld [smem:$0x0];
	_ =	sdelay $0x2  }
0xb9: {  	s31 =	sshll.u32 s1, $0xD;
	s1 =	sshrl.u32 s1, $0x2  }
0xba: {  	s3 =	sand.u32 $0x4000, s31;
	s1 =	sadd.s32 s1, s30  }
0xbb: {  	s0 =	sor.u32 s3, s0;
	s1 =	sshll.u32 s1, $0x11  }
0xbc: {  	s0 =	sor.u32 s1, s0  }
0xbd: {  	s0 =	sadd.s32 $0x8F2B, s0  }
0xbe: {  	[sflag:s0] =	ssyncadd.remote.s32 $0x1  }
0xbf: {  	_ =	sfence.sel $0xFFFF  }
0xc0: {  	[dreg:$0x0] =	wrdreg $0xFFFFFFFF;
	(pc) =	sbr.abs _section_cstart, $3  }
0xc1: {  	[dreg:$0x1] =	wrdreg $0xFFFFFFFF  }
0xc2: {  	_ =	task.clear_ibuf [dreg:s7], $0x2FFFF;
	_ =	strace $0x9FFFFFFF  }
0xc3: {  	(tm) =	ssettm $0x7FFFFFFF  }
tec
execute0_lowered:
.L_overlay_start_1:
0x0: {  	(tag) =	ssettag $0x1  }
0x1: {  	s5 =	rddreg [dreg:$0x0]  }
0x2: {  	s1 =	rddreg [dreg:$0x1]  }
0x3: {  	s2 =	rddreg [dreg:$0x2]  }
0x4: {  	s0 =	rddreg [dreg:$0x3]  }
0x5: {  	s3 =	simm.s32 $0x0;
	s4 =	srdreg.scid;
	s18 =	simm.s32 $0x1  }
0x6: {  	s19 =	simm.s32 $0x100;
	s20 =	simm.s32 $0x180;
	s7 =	sand.u32 $0x1, s4  }
0x7: {  	s21 =	simm.s32 $0x10;
	s4 =	stileid.u32;
	s6 =	smul.u32 $0x28000, s7  }
0x8: {  	[smem:$0x7FF] =	sst s3;
	s14 =	sadd.s32 $0x2800, s5;
	s8 =	smul.u32 $0x50000, s4  }
0x9: {  	s13 =	sadd.s32 $0xC600, s5;
	_ =	strace $0x8000004D;
	s16 =	smul.u32 $0x27100, s7  }
0xa: {  	s30 =	sshll.u32 s7, $0x4;
	s31 =	ssub.s32 $0x2, s7;
	s17 =	smul.u32 $0x2710, s4  }
0xb: {  	s23 =	smul.u32 $0x2800, s4;
	s9 =	sshrl.u32 s31, $0x1;
	s12 =	sadd.s32 s6, s5  }
0xc: {  	s5 =	sor.u32 s4, s30;
	s8 =	sshrl.u32 s8, $0x2;
	s15 =	ssub.s32 s31, s9  }
0xd: {  	s16 =	sadd.s32 s17, s16;
	s17 =	simm.s32 $0x80;
	s10 =	smul.u32 $0x2710, s5  }
0xe: {  	s5 =	sadd.s32 s8, s2;
	s22 =	sadd.s32 $0x16400, s12;
	s16 =	sshrl.u32 s16, $0x3  }
0xf: {  	s12 =	smax.u32 s15, $0x1;
	s15 =	simm.s32 $0x200;
	s6 =	sadd.s32 $0x4000, s5  }
0x10: {  	s7 =	sadd.s32 $0x8000, s5;
	s8 =	sadd.s32 $0xC000, s5;
	s10 =	sshrl.u32 s10, $0x3  }
0x11: {  	s9 =	sadd.s32 $0x10000, s5;
	s22 =	sadd.s32 s23, s22;
	s11 =	sadd.s32 $0x4E0, s10  }
0x12: {  	s23 =	simm.s32 $0x0;
	s10 =	sadd.s32 s14, s11;
	s11 =	sadd.s32 s13, s11  }
0x13: {  	v0 =	vimm.f32 $0.0e+00;
	s13 =	sadd.s32 s16, s13;
	s14 =	sadd.s32 s16, s14;
	s16 =	simm.s32 $0x2  }
.LBB2_1:
0x14: {  	s24 =	simm.s32 $0x0;
	s25 =	simm.s32 $0x200  }
.LBB2_2:
0x15: {  	p0 =	sne.s32 s25, $0xFE00;
	[tilespmem:s24+$0x270] =	vst v0  }
0x16: {  	[tilespmem:s24+$0x200] =	vst v0  }
0x17: {  	[tilespmem:s24+$0x210] =	vst v0  }
.Ltmp0:
0x18: {  	[tilespmem:s24+$0x220] =	vst v0;
	(pc) =	sbr.rel @p0 .LBB2_2-.Ltmp0, $4  }
0x19: {  	[tilespmem:s24+$0x230] =	vst v0  }
0x1a: {  	[tilespmem:s24+$0x240] =	vst v0  }
0x1b: {  	[tilespmem:s24+$0x250] =	vst v0  }
0x1c: {  	[tilespmem:s24+$0x260] =	vst v0;
	s24 =	sshra.s32 s25, $0x2;
	s25 =	sadd.s32 $0x200, s25  }
0x1d: {  	[tilespmem:s24+$0x270] =	vst v0  }
0x1e: {  	[tilespmem:s24+$0x200] =	vst v0  }
0x1f: {  	[tilespmem:s24+$0x210] =	vst v0  }
0x20: {  	[tilespmem:s24+$0x220] =	vst v0  }
0x21: {  	[tilespmem:s24+$0x230] =	vst v0  }
0x22: {  	[tilespmem:s24+$0x240] =	vst v0  }
0x23: {  	[tilespmem:s24+$0x250] =	vst v0  }
0x24: {  	[tilespmem:s24+$0x260] =	vst v0  }
0x25: {  	[spmem:s5] =	stream.linear.scatter [tilespmem:s15], [sflag:$0x2], $0x4000, $0x38;
	[tilespmem:$0x18200] =	vst v63  }
0x26: {  	_ =	swait.ge [sflag:s16], $0x4000  }
0x27: {  	[sflag:s16] =	ssyncset.done $0x0  }
0x28: {  	[sflag:s16] =	ssyncadd.s32 $0xFFFFC000  }
0x29: {  	[spmem:s6] =	stream.linear.scatter [tilespmem:s15], [sflag:$0x2], $0x4000, $0x38;
	[tilespmem:$0x18200] =	vst v63  }
0x2a: {  	_ =	swait.ge [sflag:s16], $0x4000  }
0x2b: {  	[sflag:s16] =	ssyncset.done $0x0  }
0x2c: {  	[sflag:s16] =	ssyncadd.s32 $0xFFFFC000  }
0x2d: {  	[spmem:s7] =	stream.linear.scatter [tilespmem:s15], [sflag:$0x2], $0x4000, $0x38;
	[tilespmem:$0x18200] =	vst v63  }
0x2e: {  	_ =	swait.ge [sflag:s16], $0x4000  }
0x2f: {  	[sflag:s16] =	ssyncset.done $0x0  }
0x30: {  	[sflag:s16] =	ssyncadd.s32 $0xFFFFC000  }
0x31: {  	[spmem:s8] =	stream.linear.scatter [tilespmem:s15], [sflag:$0x2], $0x4000, $0x38;
	[tilespmem:$0x18200] =	vst v63  }
0x32: {  	_ =	swait.ge [sflag:s16], $0x4000  }
0x33: {  	[sflag:s16] =	ssyncset.done $0x0  }
0x34: {  	[sflag:s16] =	ssyncadd.s32 $0xFFFFC000  }
0x35: {  	[spmem:s9] =	stream.linear.scatter [tilespmem:s15], [sflag:$0x2], $0x4000, $0x38;
	[tilespmem:$0x18200] =	vst v63  }
0x36: {  	_ =	swait.ge [sflag:s16], $0x4000  }
0x37: {  	[sflag:s16] =	ssyncset.done $0x0  }
0x38: {  	[sflag:s16] =	ssyncadd.s32 $0xFFFFC000  }
0x39: {  	s30 =	sadd.s32 $0x0, s14;
	[bflag:$0x0] =	sbarrier.arrive $0xFFFF  }
0x3a: {  	[tilespmem:s3], [sflag:$0x2] =	stream.linear.gather [hbm4b:s30+s3], $0x80, $0x38;
	[tilespmem:$0x18200] =	vst v63  }
0x3b: {  	_ =	swait.ge [sflag:s16], $0x80  }
0x3c: {  	[sflag:s16] =	ssyncset.done $0x0  }
0x3d: {  	s31 =	sadd.s32 $0x0, s13;
	[sflag:s16] =	ssyncadd.s32 $0xFFFFFF80  }
0x3e: {  	[tilespmem:s17], [sflag:$0x2] =	stream.linear.gather [hbm4b:s31+s3], $0x80, $0x38;
	[tilespmem:$0x18200] =	vst v63  }
0x3f: {  	_ =	swait.ge [sflag:s16], $0x80  }
0x40: {  	[sflag:s16] =	ssyncset.done $0x0  }
0x41: {  	[sflag:s16] =	ssyncadd.s32 $0xFFFFFF80  }
0x42: {  	[tilespmem:s15], [sflag:$0x1] =	stream.indirect.gather [hbm4b:s1+s17], $0x80, s3, s17, $0xb8;
	[tilespmem:$0x18200] =	vst v63  }
0x43: {  	_ =	swait.ge [sflag:s18], $0x4000  }
0x44: {  	[sflag:s18] =	ssyncset.done $0x0  }
0x45: {  	[sflag:s18] =	ssyncadd.s32 $0xFFFFC000  }
0x46: {  	[spmem:s2] =	stream.indirect.scatter.add.f32 [tilespmem:s15], [sflag:$0x2], $0x80, s17, s17, $0xb8;
	[tilespmem:$0x18200] =	vst v63  }
0x47: {  	_ =	swait.ge [sflag:s16], $0x4000  }
0x48: {  	s24 =	simm.s32 $0x10;
	s25 =	simm.s32 $0x20;
	[sflag:s16] =	ssyncset.done $0x0  }
.LBB2_4:
0x49: {  	s26 =	sadd.s32 s24, s14  }
0x4a: {  	[sflag:s16] =	ssyncadd.s32 $0xFFFFC000;
	s28 =	smov.u32 s25;
	s29 =	sadd.s32 $0x10, s25  }
0x4b: {  	[tilespmem:s3], [sflag:$0x2] =	stream.linear.gather [hbm4b:s26+s3], $0x80, $0x38;
	[tilespmem:$0x18200] =	vst v63  }
0x4c: {  	p0 =	sne.s32 s25, $0x4D0;
	_ =	swait.ge [sflag:s16], $0x80  }
0x4d: {  	[sflag:s16] =	ssyncset.done $0x0  }
0x4e: {  	s25 =	sadd.s32 s24, s13;
	s24 =	smov.u32 s28;
	[sflag:s16] =	ssyncadd.s32 $0xFFFFFF80  }
0x4f: {  	[tilespmem:s17], [sflag:$0x2] =	stream.linear.gather [hbm4b:s25+s3], $0x80, $0x38;
	[tilespmem:$0x18200] =	vst v63  }
0x50: {  	_ =	swait.ge [sflag:s16], $0x80  }
0x51: {  	[sflag:s16] =	ssyncset.done $0x0  }
0x52: {  	[sflag:s16] =	ssyncadd.s32 $0xFFFFFF80  }
0x53: {  	[tilespmem:s15], [sflag:$0x1] =	stream.indirect.gather [hbm4b:s1+s17], $0x80, s3, s17, $0xb8;
	[tilespmem:$0x18200] =	vst v63  }
0x54: {  	_ =	swait.ge [sflag:s18], $0x4000  }
.Ltmp1:
0x55: {  	[sflag:s18] =	ssyncset.done $0x0;
	(pc) =	sbr.rel @p0 .LBB2_4-.Ltmp1, $4  }
0x56: {  	[sflag:s18] =	ssyncadd.s32 $0xFFFFC000  }
0x57: {  	[spmem:s2] =	stream.indirect.scatter.add.f32 [tilespmem:s15], [sflag:$0x2], $0x80, s17, s17, $0xb8;
	[tilespmem:$0x18200] =	vst v63  }
0x58: {  	_ =	swait.ge [sflag:s16], $0x4000  }
0x59: {  	s25 =	smov.u32 s29;
	[sflag:s16] =	ssyncset.done $0x0  }
0x5a: {  	s25 =	sadd.s32 s24, s14;
	[sflag:s16] =	ssyncadd.s32 $0xFFFFC000  }
0x5b: {  	[tilespmem:s3], [sflag:$0x2] =	stream.linear.gather [hbm4b:s25+s3], $0x80, $0x38;
	[tilespmem:$0x18200] =	vst v63  }
0x5c: {  	_ =	swait.ge [sflag:s16], $0x80  }
0x5d: {  	[sflag:s16] =	ssyncset.done $0x0  }
0x5e: {  	s29 =	sadd.s32 s24, s13;
	[sflag:s16] =	ssyncadd.s32 $0xFFFFFF80  }
0x5f: {  	[tilespmem:s17], [sflag:$0x2] =	stream.linear.gather [hbm4b:s29+s3], $0x80, $0x38;
	[tilespmem:$0x18200] =	vst v63  }
0x60: {  	_ =	swait.ge [sflag:s16], $0x80  }
0x61: {  	[sflag:s16] =	ssyncset.done $0x0  }
0x62: {  	[sflag:s16] =	ssyncadd.s32 $0xFFFFFF80  }
0x63: {  	[tilespmem:s15], [sflag:$0x1] =	stream.indirect.gather [hbm4b:s1+s17], $0x80, s3, s17, $0xb8;
	[tilespmem:$0x18200] =	vst v63  }
0x64: {  	_ =	swait.ge [sflag:s18], $0x4000  }
0x65: {  	[sflag:s18] =	ssyncset.done $0x0  }
0x66: {  	[sflag:s18] =	ssyncadd.s32 $0xFFFFC000  }
0x67: {  	[spmem:s2] =	stream.indirect.scatter.add.f32 [tilespmem:s15], [sflag:$0x2], $0x80, s17, s17, $0xb8;
	[tilespmem:$0x18200] =	vst v63  }
0x68: {  	_ =	swait.ge [sflag:s16], $0x4000  }
0x69: {  	[sflag:s16] =	ssyncset.done $0x0  }
0x6a: {  	[sflag:s16] =	ssyncadd.s32 $0xFFFFC000  }
0x6b: {  	[tilespmem:s19], [sflag:$0x2] =	stream.linear.gather [hbm4b:s10+s3], $0x10, $0x38;
	[tilespmem:$0x18200] =	vst v63  }
0x6c: {  	_ =	swait.ge [sflag:s16], $0x10  }
0x6d: {  	[sflag:s16] =	ssyncset.done $0x0  }
0x6e: {  	[sflag:s16] =	ssyncadd.s32 $0xFFFFFFF0  }
0x6f: {  	[tilespmem:s20], [sflag:$0x2] =	stream.linear.gather [hbm4b:s11+s3], $0x10, $0x38;
	[tilespmem:$0x18200] =	vst v63  }
0x70: {  	_ =	swait.ge [sflag:s16], $0x10  }
0x71: {  	[sflag:s16] =	ssyncset.done $0x0  }
0x72: {  	[sflag:s16] =	ssyncadd.s32 $0xFFFFFFF0  }
0x73: {  	[tilespmem:s15], [sflag:$0x1] =	stream.indirect.gather [hbm4b:s1+s21], $0x80, s19, s21, $0xb8;
	[tilespmem:$0x18200] =	vst v63  }
0x74: {  	_ =	swait.ge [sflag:s18], $0x800  }
0x75: {  	[sflag:s18] =	ssyncset.done $0x0  }
0x76: {  	[sflag:s18] =	ssyncadd.s32 $0xFFFFF800  }
0x77: {  	[spmem:s2] =	stream.indirect.scatter.add.f32 [tilespmem:s15], [sflag:$0x2], $0x80, s20, s21, $0xb8;
	[tilespmem:$0x18200] =	vst v63  }
0x78: {  	_ =	swait.ge [sflag:s16], $0x800  }
0x79: {  	s30 =	sshll.u32 s4, $0x6;
	s23 =	sadd.s32 $0x1, s23;
	[sflag:s16] =	ssyncset.done $0x0  }
0x7a: {  	s31 =	sshrl.u32 s5, $0x3;
	p0 =	sne.s32 s23, s12;
	[sflag:s16] =	ssyncadd.s32 $0xFFFFF800  }
.Ltmp2:
0x7b: {  	s24 =	sor.u32 $0x1C02, s30;
	[bflag:$0x0] =	sbarrier.arrive $0xFFFF;
	(pc) =	sbr.rel @p0 .LBB2_1-.Ltmp2, $4  }
0x7c: {  	[hbm:s22], [sflag:s24] =	dma.local [spmem:s31], $0x2800  }
0x7d: {  	_ =	swait.ge [sflag:s16], $0x2800  }
0x7e: {  	[sflag:s16] =	ssyncset.done $0x0  }
0x7f: {  	[sflag:s16] =	ssyncadd.s32 $0xFFFFD800  }
0x80: {  	_ =	sfence.sel $0x180000  }
0x81: {  	[bflag:$0x0] =	sbarrier.arrive $0xFFFF  }
0x82: {  	p0 =	sne.s32 s4, $0x0;
	_ =	strace $0x9000004D  }
0x83: {  	s0 =	sadd.s32 @!p0 $0x100000, s0;
	[bflag:$0x2] =	sbarrier.arrive $0xFFFF  }
0x84: {  	[sflag:s0] =	ssyncadd.tile.s32 @!p0 $0x1;
	_ =	shalt  }
.Lfunc_end2:
_tile_overlayer_lowered:
.L_overlay_start_2:
0x85: {  	(tag) =	ssettag $0x2  }
0x86: {  	s0 =	rddreg [dreg:$0x0];
	s2 =	stileid.u32  }
0x87: {  	s1 =	rddreg [dreg:$0x1];
	p0 =	sne.s32 s2, $0x0  }
0x88: {  	s3 =	rddreg [dreg:$0x2];
	[bflag:$0x3] =	sbarrier.arrive $0xFFFF;
	s2 =	simm.s32 @!p0 $0x1C02  }
0x89: {  	[timem:s3], [sflag:s2] =	dma.local @!p0 [hbm:s0], s1  }
0x8a: {  	s0 =	simm.s32 @!p0 $0x2  }
0x8b: {  	_ =	swait.ge @!p0 [sflag:s0], s1  }
0x8c: {  	s1 =	ssub.s32 @!p0 $0x0, s1;
	[sflag:s0] =	ssyncset.done @!p0 $0x0  }
0x8d: {  	[sflag:s0] =	ssyncadd.s32 @!p0 s1  }
0x8e: {  	[bflag:$0x3] =	sbarrier.arrive $0xFFFF  }
0x8f: {  	_ =	shalt  }

// kernel: kernel.8.cloned.1.call-start
scs
__scs_entry_jumppad:
0x0: {  	(pc) =	sbr.rel $0x88, $3  }
0x1: {  	(tag) =	ssettag $0x0;
	lr =	simm.s32 $0x1  }
0x2: {  	[smem:$0x3F9B] =	sst lr;
	_ =	strace $0xD0000000  }
0x3: {  	_ = 	snop  }
0x4: {  	_ = 	snop  }
0x5: {  	_ = 	snop  }
0x6: {  	_ = 	snop  }
0x7: {  	_ = 	snop  }
__scs_overlays_trampoline_lowered:
0x8: {  	[smem:$0x3FAA] =	sst s0  }
0x9: {  	[smem:$0x3FAB] =	sst s1  }
0xa: {  	[smem:$0x3FAC] =	sst s2  }
0xb: {  	[smem:$0x3FAD] =	sst s3  }
0xc: {  	[smem:$0x3FAE] =	sst s4  }
0xd: {  	[smem:$0x3FAF] =	sst s5  }
0xe: {  	[smem:$0x3FB0] =	sst s6  }
0xf: {  	[smem:$0x3FB1] =	sst s7  }
0x10: {  	[smem:$0x3FB2] =	sst s8  }
0x11: {  	[smem:$0x3FB3] =	sst s9;
	s0 =	simm.s32 @!p0 $0x0  }
0x12: {  	s1 =	sld [smem:$0x3F99];
	s0 =	simm.s32 @p0 $0x1  }
0x13: {  	[smem:$0x3FB4] =	sst s0;
	s0 =	simm.s32 @!p1 $0x0  }
0x14: {  	s2 =	sld [smem:$0x3F98];
	s0 =	simm.s32 @p1 $0x1  }
0x15: {  	[smem:$0x3FB5] =	sst s0;
	s0 =	simm.s32 @!p2 $0x0  }
0x16: {  	s3 =	sld [smem:$0x3FDB];
	s0 =	simm.s32 @p2 $0x1  }
0x17: {  	s4 =	simm.s32 $0x1BF5;
	[smem:$0x3FB7] =	sst s0  }
0x18: {  	s0 =	sld [smem:$0x3F9A];
	_ =	swait.ge [sflag:s4], $0x0  }
0x19: {  	s7 =	sld [smem:$0x3F9B]  }
0x1a: {  	s8 =	sadd.s32 $0xFFFFE003, lr  }
0x1b: {  	s9 =	sadd.s32 $0xFFFFFEF7, lr;
	s5 =	simm.s32 $0xFFFFFFFF;
	p2 =	slt.u32 s8, $0xFFFFF086  }
0x1c: {  	p1 =	slt.u32 s9, $0xF7A;
	s5 =	simm.s32 @!p2 $0x0  }
0x1d: {  	s5 =	simm.s32 @p1 $0x1;
	p0 =	seq.s32 s7, s2  }
0x1e: {  	s7 =	smul.u32 @!p0 $0xF7A, s2;
	p2 =	seq.s32 @!p0 s5, $0x0  }
0x1f: {  	s9 =	smul.u32 $0xF7A, s1;
	s8 =	simm.s32 @!p0 $0x1BF5;
	p2 =	por !p2, p0  }
0x20: {  	[sflag:s8] =	ssyncset.s32 @!p0 $0xFFFFF086;
	s6 =	sadd.s32 @!p0 s3, s7;
	s7 =	simm.s32 @!p0 $0x108  }
0x21: {  	s3 =	sadd.s32 s3, s9;
	s6 =	sadd.s32 @!p0 $0x88, s6;
	s7 =	simm.s32 @p2 $0x1082  }
0x22: {  	[simem:s7], [sflag:s8] =	dma.local @!p0 [hbm:s6], $0xF7A  }
0x23: {  	s9 =	sor.u32 $0xD0000000, s2;
	s6 =	simm.s32 $0x108;
	_ =	swait.ge @!p0 [sflag:s8], $0x0  }
0x24: {  	s3 =	sadd.s32 $0x88, s3;
	s6 =	simm.s32 @!p1 $0x1082;
	[sflag:s4] =	ssyncset.s32 $0xFFFFF086  }
0x25: {  	[simem:s6], [sflag:s4] =	dma.local [hbm:s3], $0xF7A  }
0x26: {  	[smem:$0x3F9B] =	sst s1;
	(tag) =	ssettag s2;
	_ =	strace s9  }
0x27: {  	s1 =	sld [smem:$0x3FAB]  }
0x28: {  	s2 =	sld [smem:$0x3FAC]  }
0x29: {  	s4 =	sld [smem:$0x3FAE]  }
0x2a: {  	p0 =	seq.s32 s5, $0x0;
	s5 =	sld [smem:$0x3FAF]  }
0x2b: {  	s6 =	sld [smem:$0x3FB0]  }
0x2c: {  	s7 =	sld [smem:$0x3FB1]  }
0x2d: {  	s3 =	simm.s32 $0x108;
	s8 =	sld [smem:$0x3FB2]  }
0x2e: {  	s3 =	simm.s32 @!p0 $0x1082;
	s9 =	sld [smem:$0x3FB3]  }
0x2f: {  	lr =	sadd.s32 s0, s3;
	s0 =	sld [smem:$0x3FAA]  }
0x30: {  	s3 =	sld [smem:$0x3FAD]  }
0x31: {  	[smem:$0x3FB6] =	sst s10  }
0x32: {  	s10 =	sld [smem:$0x3FB4];
	_ =	sdelay $0x3  }
0x33: {  	p0 =	seq.s32 s10, $0x1;
	s10 =	sld [smem:$0x3FB6];
	_ =	sdelay $0x3  }
0x34: {  	[smem:$0x3FB6] =	sst s10  }
0x35: {  	s10 =	sld [smem:$0x3FB5];
	_ =	sdelay $0x3  }
0x36: {  	p1 =	seq.s32 s10, $0x1;
	s10 =	sld [smem:$0x3FB6];
	_ =	sdelay $0x3  }
0x37: {  	[smem:$0x3FB6] =	sst s10  }
0x38: {  	s10 =	sld [smem:$0x3FB7]  }
0x39: {  	_ = 	snop;
	(pc) =	sbr.ind lr, $3  }
0x3a: {  	_ = 	snop  }
0x3b: {  	_ = 	snop  }
0x3c: {  	p2 =	seq.s32 s10, $0x1;
	s10 =	sld [smem:$0x3FB6]  }
0x3d: {  	_ =	shalt  }
0x3e: {  	_ =	shalt  }
0x3f: {  	_ =	shalt  }
0x40: {  	_ =	shalt  }
0x41: {  	_ =	shalt  }
0x42: {  	_ =	shalt  }
0x43: {  	_ =	shalt  }
0x44: {  	_ =	shalt  }
0x45: {  	_ =	shalt  }
0x46: {  	_ =	shalt  }
0x47: {  	_ =	shalt  }
0x48: {  	_ =	shalt  }
0x49: {  	_ =	shalt  }
0x4a: {  	_ =	shalt  }
0x4b: {  	_ =	shalt  }
0x4c: {  	_ =	shalt  }
0x4d: {  	_ =	shalt  }
0x4e: {  	_ =	shalt  }
0x4f: {  	_ =	shalt  }
0x50: {  	_ =	shalt  }
0x51: {  	_ =	shalt  }
0x52: {  	_ =	shalt  }
0x53: {  	_ =	shalt  }
0x54: {  	_ =	shalt  }
0x55: {  	_ =	shalt  }
0x56: {  	_ =	shalt  }
0x57: {  	_ =	shalt  }
0x58: {  	_ =	shalt  }
0x59: {  	_ =	shalt  }
0x5a: {  	_ =	shalt  }
0x5b: {  	_ =	shalt  }
0x5c: {  	_ =	shalt  }
0x5d: {  	_ =	shalt  }
0x5e: {  	_ =	shalt  }
0x5f: {  	_ =	shalt  }
0x60: {  	_ =	shalt  }
0x61: {  	_ =	shalt  }
0x62: {  	_ =	shalt  }
0x63: {  	_ =	shalt  }
0x64: {  	_ =	shalt  }
0x65: {  	_ =	shalt  }
0x66: {  	_ =	shalt  }
0x67: {  	_ =	shalt  }
0x68: {  	_ =	shalt  }
0x69: {  	_ =	shalt  }
0x6a: {  	_ =	shalt  }
0x6b: {  	_ =	shalt  }
0x6c: {  	_ =	shalt  }
0x6d: {  	_ =	shalt  }
0x6e: {  	_ =	shalt  }
0x6f: {  	_ =	shalt  }
0x70: {  	_ =	shalt  }
0x71: {  	_ =	shalt  }
0x72: {  	_ =	shalt  }
0x73: {  	_ =	shalt  }
0x74: {  	_ =	shalt  }
0x75: {  	_ =	shalt  }
0x76: {  	_ =	shalt  }
0x77: {  	_ =	shalt  }
0x78: {  	_ =	shalt  }
0x79: {  	_ =	shalt  }
0x7a: {  	_ =	shalt  }
0x7b: {  	_ =	shalt  }
0x7c: {  	_ =	shalt  }
0x7d: {  	_ =	shalt  }
0x7e: {  	_ =	shalt  }
0x7f: {  	_ =	shalt  }
0x80: {  	_ =	shalt  }
0x81: {  	_ =	shalt  }
0x82: {  	_ =	shalt  }
0x83: {  	_ =	shalt  }
0x84: {  	_ =	shalt  }
0x85: {  	_ =	shalt  }
0x86: {  	_ =	shalt  }
0x87: {  	_ =	shalt  }
.Lfunc_end0:
.L_simem_size_0:
called_computation_lowered:
.L_overlay_start_0:
0x88: {  	s2 =	sld [smem:$0x3FD9]  }
0x89: {  	s3 =	sld [smem:$0x3FFE];
	_ =	sdelay $0x1  }
0x8a: {  	s1 =	srdreg.scid  }
0x8b: {  	s0 =	sand.u32 $0x1, s1  }
0x8c: {  	s17 =	sshll.u32 s0, $0xA;
	s2 =	sadd.s32 s3, s2  }
0x8d: {  	s2 =	sadd.s32 s2, s17  }
0x8e: {  	[smem:$0x3FC2] =	sst s2  }
0x8f: {  	_ = 	snop  }
0x90: {  	s2 =	sld [smem:$0x3FD0];
	(tm) =	ssettm $0x1  }
0x91: {  	s18 =	sld [smem:$0x3FFB];
	_ =	sdelay $0x3  }
0x92: {  	_ =	strace s18  }
0x93: {  	s3 =	sld [smem:$0x3FFC];
	_ =	sdelay $0x3  }
0x94: {  	_ =	strace s3  }
0x95: {  	s3 =	sld [smem:$0x3FFD];
	_ =	sdelay $0x3  }
0x96: {  	_ =	strace s3  }
0x97: {  	_ =	strace $0x8FFFFFFF  }
0x98: {  	s19 =	sld [smem:$0x3FDB];
	_ =	sdelay $0x1  }
0x99: {  	s4 =	simm.s32 $_scs_section_size  }
0x9a: {  	s5 =	simm.s32 $_size__tile_overlayer_lowered;
	s6 =	simm.s32 $_tile_overlayer_lowered  }
0x9b: {  	s22 =	simm.s32 $0x1BFF;
	s21 =	sshll.u32 s6, $0x1;
	s3 =	sadd.s32 s4, s19  }
0x9c: {  	s7 =	simm.s32 $0x0;
	s20 =	sshll.u32 s5, $0x1;
	s5 =	sadd.s32 s21, s3  }
0x9d: {  	[timem:s7], [sflag:s22] =	dma.local [hbm:s5], s20  }
0x9e: {  	_ =	swait.ge [sflag:s22], s20  }
0x9f: {  	s4 =	ssub.s32 $0x0, s20;
	[sflag:s22] =	ssyncset.done $0x0  }
0xa0: {  	[sflag:s22] =	ssyncadd.s32 s4;
	_ =	sdelay $0x1  }
0xa1: {  	s23 =	simm.s32 $0x1B8B  }
0xa2: {  	_ =	swait.ge [sflag:s23], $0x1  }
0xa3: {  	[sflag:s23] =	ssyncset.done $0x0  }
0xa4: {  	s25 =	simm.s32 $0x1B8E;
	s24 =	sld [smem:$0x3FFE];
	[sflag:s23] =	ssyncadd.s32 $0xFFFFFFFF  }
0xa5: {  	s26 =	simm.s32 $execute0_lowered;
	[smem:$0x3FD2] =	sst s25  }
0xa6: {  	s5 =	sshll.u32 s26, $0x1;
	_ =	strace $0x80000046;
	[dreg:$0x1] =	wrdreg $0xFFFFFFFF  }
0xa7: {  	s28 =	simm.s32 $_size_execute0_lowered;
	s3 =	sadd.s32 s3, s5;
	[dreg:$0x0] =	wrdreg $0x0  }
0xa8: {  	s5 =	sshll.u32 s28, $0x1;
	[dreg:$0x2] =	wrdreg s3  }
0xa9: {  	[dreg:$0x3] =	wrdreg s5  }
0xaa: {  	[dreg:$0x4] =	wrdreg $0xC0  }
0xab: {  	_ =	task [dreg:s7], $0x5FFFF  }
0xac: {  	[dreg:$0x1] =	wrdreg $0xFFFFFFFF  }
0xad: {  	[dreg:$0x0] =	wrdreg $0x60  }
0xae: {  	[dreg:$0x2] =	wrdreg s2  }
0xaf: {  	[dreg:$0x3] =	wrdreg s24  }
0xb0: {  	[dreg:$0x4] =	wrdreg $0x28800  }
0xb1: {  	[dreg:$0x5] =	wrdreg $0x9  }
0xb2: {  	_ =	task.clear_ibuf [dreg:s7], $0x6FFFF;
	_ =	strace $0x90000046  }
0xb3: {  	s29 =	simm.s32 $0x9;
	_ =	strace $0x80000048  }
0xb4: {  	_ =	swait.ge [sflag:s29], $0x1  }
0xb5: {  	[sflag:s29] =	ssyncadd.s32 $0xFFFFFFFF  }
0xb6: {  	_ =	strace $0x90000048  }
0xb7: {  	_ =	sfence  }
0xb8: {  	s30 =	sld [smem:$0x0];
	_ =	sdelay $0x2  }
0xb9: {  	s31 =	sshll.u32 s1, $0xD;
	s1 =	sshrl.u32 s1, $0x2  }
0xba: {  	s3 =	sand.u32 $0x4000, s31;
	s1 =	sadd.s32 s1, s30  }
0xbb: {  	s0 =	sor.u32 s3, s0;
	s1 =	sshll.u32 s1, $0x11  }
0xbc: {  	s0 =	sor.u32 s1, s0  }
0xbd: {  	s0 =	sadd.s32 $0x8F2B, s0  }
0xbe: {  	[sflag:s0] =	ssyncadd.remote.s32 $0x1  }
0xbf: {  	_ =	sfence.sel $0xFFFF  }
0xc0: {  	[dreg:$0x0] =	wrdreg $0xFFFFFFFF;
	(pc) =	sbr.abs _section_cstart, $3  }
0xc1: {  	[dreg:$0x1] =	wrdreg $0xFFFFFFFF  }
0xc2: {  	_ =	task.clear_ibuf [dreg:s7], $0x2FFFF;
	_ =	strace $0x9FFFFFFF  }
0xc3: {  	(tm) =	ssettm $0x7FFFFFFF  }
tec
execute0_lowered:
.L_overlay_start_1:
0x0: {  	(tag) =	ssettag $0x1  }
0x1: {  	s4 =	rddreg [dreg:$0x0]  }
0x2: {  	s5 =	rddreg [dreg:$0x1]  }
0x3: {  	s1 =	rddreg [dreg:$0x2]  }
0x4: {  	s2 =	srdreg.scid;
	s0 =	rddreg [dreg:$0x3];
	s3 =	simm.s32 $0x0  }
0x5: {  	s12 =	simm.s32 $0x2800;
	s13 =	simm.s32 $0x80;
	s14 =	simm.s32 $0x1  }
0x6: {  	s18 =	simm.s32 $0x20;
	s19 =	simm.s32 $0x10;
	s20 =	simm.s32 $0x0  }
0x7: {  	s6 =	sand.u32 $0x1, s2;
	s2 =	stileid.u32;
	[smem:$0x7FF] =	sst s3  }
0x8: {  	s7 =	sshll.u32 s6, $0x4;
	s9 =	smul.u32 $0xA00, s2;
	_ =	strace $0x80000047  }
0x9: {  	s6 =	ssub.s32 $0x2, s6;
	s16 =	smul.u32 $0xA0, s2;
	s17 =	sshll.u32 s2, $0x6  }
0xa: {  	s8 =	sor.u32 s2, s7;
	s10 =	sadd.s32 s7, s5;
	s30 =	sshrl.u32 s6, $0x1  }
0xb: {  	s8 =	smul.u32 $0x500, s8;
	s31 =	sshrl.u32 s9, $0x2;
	s11 =	ssub.s32 s6, s30  }
0xc: {  	s15 =	sadd.s32 $0x16400, s10;
	s5 =	sadd.s32 s31, s1;
	s10 =	smax.u32 s11, $0x1  }
0xd: {  	s11 =	simm.s32 $0x2;
	s15 =	sadd.s32 s16, s15;
	s16 =	sor.u32 $0x1C02, s17  }
0xe: {  	s4 =	sadd.s32 s4, s8;
	s6 =	sadd.s32 $0x80, s5;
	s7 =	sadd.s32 $0x100, s5  }
0xf: {  	v0 =	vimm.f32 $0.0e+00;
	v1 =	vimm.f32 $1.000000000e+00;
	s8 =	sadd.s32 $0x180, s5;
	s9 =	sadd.s32 $0x200, s5;
	s17 =	sshrl.u32 s5, $0x3  }
.LBB2_1:
0x10: {  	[tilespmem:s3], [sflag:$0x2] =	stream.linear.gather [hbm4b:s4+s3], $0x2800, $0x38;
	[tilespmem:$0x2B00] =	vst v63  }
0x11: {  	_ =	swait.ge [sflag:s11], $0x2800  }
0x12: {  	[sflag:s11] =	ssyncset.done $0x0  }
0x13: {  	[sflag:s11] =	ssyncadd.s32 $0xFFFFD800  }
0x14: {  	[tilespmem:$0x2800] =	vst v0  }
0x15: {  	[tilespmem:$0x2810] =	vst v0  }
0x16: {  	[tilespmem:$0x2820] =	vst v0  }
0x17: {  	[tilespmem:$0x2830] =	vst v0  }
0x18: {  	[tilespmem:$0x2840] =	vst v0  }
0x19: {  	[tilespmem:$0x2850] =	vst v0  }
0x1a: {  	[tilespmem:$0x2860] =	vst v0  }
0x1b: {  	[tilespmem:$0x2870] =	vst v0  }
0x1c: {  	[spmem:s5] =	stream.linear.scatter [tilespmem:s12], [sflag:$0x2], $0x80, $0x38;
	[tilespmem:$0x2B00] =	vst v63  }
0x1d: {  	_ =	swait.ge [sflag:s11], $0x80  }
0x1e: {  	[sflag:s11] =	ssyncset.done $0x0  }
0x1f: {  	[sflag:s11] =	ssyncadd.s32 $0xFFFFFF80  }
0x20: {  	[spmem:s6] =	stream.linear.scatter [tilespmem:s12], [sflag:$0x2], $0x80, $0x38;
	[tilespmem:$0x2B00] =	vst v63  }
0x21: {  	_ =	swait.ge [sflag:s11], $0x80  }
0x22: {  	[sflag:s11] =	ssyncset.done $0x0  }
0x23: {  	[sflag:s11] =	ssyncadd.s32 $0xFFFFFF80  }
0x24: {  	[spmem:s7] =	stream.linear.scatter [tilespmem:s12], [sflag:$0x2], $0x80, $0x38;
	[tilespmem:$0x2B00] =	vst v63  }
0x25: {  	_ =	swait.ge [sflag:s11], $0x80  }
0x26: {  	[sflag:s11] =	ssyncset.done $0x0  }
0x27: {  	[sflag:s11] =	ssyncadd.s32 $0xFFFFFF80  }
0x28: {  	[spmem:s8] =	stream.linear.scatter [tilespmem:s12], [sflag:$0x2], $0x80, $0x38;
	[tilespmem:$0x2B00] =	vst v63  }
0x29: {  	_ =	swait.ge [sflag:s11], $0x80  }
0x2a: {  	[sflag:s11] =	ssyncset.done $0x0  }
0x2b: {  	[sflag:s11] =	ssyncadd.s32 $0xFFFFFF80  }
0x2c: {  	[spmem:s9] =	stream.linear.scatter [tilespmem:s12], [sflag:$0x2], $0x80, $0x38;
	[tilespmem:$0x2B00] =	vst v63  }
0x2d: {  	_ =	swait.ge [sflag:s11], $0x80  }
0x2e: {  	[sflag:s11] =	ssyncset.done $0x0  }
0x2f: {  	[sflag:s11] =	ssyncadd.s32 $0xFFFFFF80  }
0x30: {  	[tilespmem:$0x2800] =	vst v1  }
0x31: {  	[tilespmem:$0x2810] =	vst v1  }
0x32: {  	[tilespmem:$0x2820] =	vst v1  }
0x33: {  	[tilespmem:$0x2830] =	vst v1  }
0x34: {  	[tilespmem:$0x2840] =	vst v1  }
0x35: {  	[tilespmem:$0x2850] =	vst v1  }
0x36: {  	[tilespmem:$0x2860] =	vst v1  }
0x37: {  	[tilespmem:$0x2870] =	vst v1  }
0x38: {  	s21 =	simm.s32 $0x0;
	[bflag:$0x0] =	sbarrier.arrive $0xFFFF  }
.LBB2_2:
0x39: {  	p0 =	sne.s32 s21, $0x9E00  }
.Ltmp0:
0x3a: {  	_ = 	snop;
	(pc) =	sbr.rel @p0 .LBB2_2-.Ltmp0, $3  }
0x3b: {  	_ =	sdelay $0x1  }
0x3c: {  	s22 =	sshra.s32 s21, $0x2;
	s21 =	sadd.s32 $0x200, s21  }
0x3d: {  	[spmem:s1] =	stream.indirect.scatter.add.f32 [tilespmem:s12], [sflag:$0x1], $0x1, s22, s13, $0xb8;
	[tilespmem:$0x2B00] =	vst v63  }
0x3e: {  	_ =	swait.ge [sflag:s14], $0x80  }
0x3f: {  	s21 =	simm.s32 $0x4F;
	[sflag:s14] =	ssyncset.done $0x0  }
.LBB2_4:
0x40: {  	p0 =	sne.s32 s21, $0x1;
	s21 =	sadd.s32 $0xFFFFFFFF, s21;
	[sflag:s14] =	ssyncadd.s32 $0xFFFFFF80  }
.Ltmp1:
0x41: {  	(pc) =	sbr.rel @p0 .LBB2_4-.Ltmp1, $3  }
0x42: {  	_ =	sdelay $0x1  }
0x43: {  	_ =	swait.ge [sflag:s14], $0x80  }
0x44: {  	[sflag:s14] =	ssyncset.done $0x0  }
0x45: {  	s20 =	sadd.s32 $0x1, s20  }
0x46: {  	[sflag:s14] =	ssyncadd.s32 $0xFFFFFF80;
	p0 =	sne.s32 s20, s10  }
.Ltmp2:
0x47: {  	[bflag:$0x0] =	sbarrier.arrive $0xFFFF;
	(pc) =	sbr.rel @p0 .LBB2_1-.Ltmp2, $4  }
0x48: {  	[hbm:s15@s18], [sflag:s16] =	dma.strided [spmem:s17@s19], $0x50, s14, $0x10   }
0x49: {  	_ =	swait.ge [sflag:s11], $0x50  }
0x4a: {  	[sflag:s11] =	ssyncset.done $0x0  }
0x4b: {  	[sflag:s11] =	ssyncadd.s32 $0xFFFFFFB0  }
0x4c: {  	_ =	sfence.sel $0x180000  }
0x4d: {  	[bflag:$0x0] =	sbarrier.arrive $0xFFFF  }
0x4e: {  	p0 =	sne.s32 s2, $0x0;
	_ =	strace $0x90000047  }
0x4f: {  	s0 =	sadd.s32 @!p0 $0x100000, s0;
	[bflag:$0x2] =	sbarrier.arrive $0xFFFF  }
0x50: {  	[sflag:s0] =	ssyncadd.tile.s32 @!p0 $0x1;
	_ =	shalt  }
.Lfunc_end2:
_tile_overlayer_lowered:
.L_overlay_start_2:
0x51: {  	(tag) =	ssettag $0x2  }
0x52: {  	s0 =	rddreg [dreg:$0x0];
	s2 =	stileid.u32  }
0x53: {  	s1 =	rddreg [dreg:$0x1];
	p0 =	sne.s32 s2, $0x0  }
0x54: {  	s3 =	rddreg [dreg:$0x2];
	[bflag:$0x3] =	sbarrier.arrive $0xFFFF;
	s2 =	simm.s32 @!p0 $0x1C02  }
0x55: {  	[timem:s3], [sflag:s2] =	dma.local @!p0 [hbm:s0], s1  }
0x56: {  	s0 =	simm.s32 @!p0 $0x2  }
0x57: {  	_ =	swait.ge @!p0 [sflag:s0], s1  }
0x58: {  	s1 =	ssub.s32 @!p0 $0x0, s1;
	[sflag:s0] =	ssyncset.done @!p0 $0x0  }
0x59: {  	[sflag:s0] =	ssyncadd.s32 @!p0 s1  }
0x5a: {  	[bflag:$0x3] =	sbarrier.arrive $0xFFFF  }
0x5b: {  	_ =	shalt  }

</sc_bundles>
